<compile_context>
chip_gen: v7x
topology: tpu7x:2x2x1
jax: 0.10.2.dev20260603
libtpu: 0.0.44.dev20260713+nightly
codegen_flags: <defaults>
</compile_context>

<pallas_src>
import functools

import jax
import jax.numpy as jnp
from jax import lax
from jax.experimental import pallas as pl
from jax.experimental.pallas import tpu as pltpu
from jax.experimental.pallas import tpu_sc as plsc

_C = 192
_K = 32
_CLAMP = 1.5
_LOW = -1.0
_HIGH = 1.0
_H = 384
_W = 384
_HW = _H * _W

_NC = 2
_NS = 16
_NW = _NC * _NS
_CPW = _C // _NW

_NJ = 48
_RPC = 48
_NCHUNK = _H // _RPC
_NVR = _W // 16
_UNROLL = 8

_SCALE = (_K - 1) / (_HIGH - _LOW)
_UJLO = (-_CLAMP - _LOW) * _SCALE + 8.0
_UJHI = (_CLAMP - _LOW) * _SCALE + 8.0

_mesh = plsc.VectorSubcoreMesh(core_axis_name="c", subcore_axis_name="s")


@functools.partial(
    pl.kernel,
    mesh=_mesh,
    compiler_params=pltpu.CompilerParams(
        needs_layout_passes=False, disable_bounds_checks=True),
    out_type=jax.ShapeDtypeStruct((1, _C, _H, _W), jnp.float32),
    scratch_types=[
        pltpu.VMEM((_RPC, _W), jnp.float32),
        pltpu.VMEM((_RPC, _W), jnp.float32),
        pltpu.VMEM((_RPC, _W), jnp.float32),
        pltpu.VMEM((_RPC, _W), jnp.float32),
        pltpu.VMEM((_C * _NJ,), jnp.int32),
        pltpu.VMEM((_C * _NJ,), jnp.int32),
        pltpu.VMEM((5 * _C,), jnp.float32),
        pltpu.SemaphoreType.DMA,
        pltpu.SemaphoreType.DMA,
        pltpu.SemaphoreType.DMA,
        pltpu.SemaphoreType.DMA,
    ],
)
def _spline_sc(x_hbm, w01_hbm, w23_hbm, pp_hbm,
               out_hbm, xb0, xb1, yb0, yb1, w01v, w23v, ppv,
               si0, si1, so0, so1):
    wid = lax.axis_index("s") * _NC + lax.axis_index("c")
    cbase = wid * _CPW
    nchunks = _CPW * _NCHUNK
    xbufs = (xb0, xb1)
    ybufs = (yb0, yb1)
    isems = (si0, si1)
    osems = (so0, so1)

    def chunk_pos(c):
        chg = cbase + c // _NCHUNK
        row = (c % _NCHUNK) * _RPC
        return chg, row

    def start_in(c, b):
        chg, row = chunk_pos(c)
        pltpu.async_copy(x_hbm.at[0, chg, pl.ds(row, _RPC)], xbufs[b],
                         isems[b])

    def wait_in(b):
        pltpu.make_async_copy(x_hbm.at[0, 0, pl.ds(0, _RPC)], xbufs[b],
                              isems[b]).wait()

    def start_out(c, b):
        chg, row = chunk_pos(c)
        pltpu.async_copy(ybufs[b], out_hbm.at[0, chg, pl.ds(row, _RPC)],
                         osems[b])

    def wait_out(b):
        pltpu.make_async_copy(ybufs[b], out_hbm.at[0, 0, pl.ds(0, _RPC)],
                              osems[b]).wait()

    def compute(c, b):
        chg, _ = chunk_pos(c)
        ci = jnp.full((16,), chg, jnp.int32)
        pA = plsc.load_gather(ppv, [ci])
        pB = plsc.load_gather(ppv, [ci + _C])
        pLO = plsc.load_gather(ppv, [ci + 2 * _C])
        pHI = plsc.load_gather(ppv, [ci + 3 * _C])
        pG = plsc.load_gather(ppv, [ci + 4 * _C])
        xbuf, ybuf = xbufs[b], ybufs[b]

        @plsc.parallel_loop(0, _RPC * _NVR, step=1, unroll=_UNROLL)
        def vec_body(i):
            r = i // _NVR
            j = i - r * _NVR
            s = pl.ds(j * 16, 16)
            xv = xbuf[r, s]
            uj = xv * pA + pB
            uj = jnp.maximum(jnp.minimum(uj, pHI), pLO)
            jv = uj.astype(jnp.int32)
            tf = uj - jv.astype(jnp.float32)
            w01 = plsc.load_gather(w01v, [jv])
            w23 = plsc.load_gather(w23v, [jv])
            hi_mask = jnp.int32(-65536)
            g0 = plsc.bitcast(lax.shift_left(w01, 16), jnp.float32)
            g1 = plsc.bitcast(w01 & hi_mask, jnp.float32)
            g2 = plsc.bitcast(lax.shift_left(w23, 16), jnp.float32)
            g3 = plsc.bitcast(w23 & hi_mask, jnp.float32)
            p = ((g3 * tf + g2) * tf + g1) * tf + g0
            ybuf[r, s] = xv * pG + p

    start_in(0, 0)
    start_in(1, 1)
    pltpu.sync_copy(w01_hbm, w01v)
    pltpu.sync_copy(w23_hbm, w23v)
    pltpu.sync_copy(pp_hbm, ppv)

    def pair_body(g2, carry):
        c = 2 * g2
        for b in (0, 1):
            cc = c + b
            wait_in(b)
            pl.when(cc >= 2)(lambda: wait_out(b))
            compute(cc, b)
            start_out(cc, b)
            pl.when(cc + 2 < nchunks)(lambda: start_in(cc + 2, b))
        return carry

    lax.fori_loop(0, nchunks // 2, pair_body, 0)
    wait_out(0)
    wait_out(1)


def kernel(x, a, b, alpha, id_gain, bias):
    f32 = jnp.float32
    iv = jnp.arange(_NJ) - 8

    def tap(d):
        return alpha[:, jnp.clip(iv + d, 0, _K - 1)]

    v0, v1, v2, v3 = tap(-1), tap(0), tap(1), tap(2)
    c0 = (v0 + 4.0 * v1 + v2) / 6.0 + bias[:, None]
    c1 = (v2 - v0) * 0.5
    c2 = (v0 - 2.0 * v1 + v2) * 0.5
    c3 = (3.0 * (v1 - v2) + (v3 - v0)) / 6.0

    def b16(v):
        h = lax.bitcast_convert_type(v.astype(jnp.bfloat16), jnp.uint16)
        return h.astype(jnp.uint32)

    def packpair(lo, hi):
        w = b16(lo) | (b16(hi) << 16)
        return lax.bitcast_convert_type(w, jnp.int32)

    w01 = packpair(c0, c1)
    w23 = packpair(c2, c3)

    cb = jnp.arange(_C, dtype=f32) * _NJ
    pa = (a * _SCALE).astype(f32)
    pb = ((b - _LOW) * _SCALE + 8.0).astype(f32) + cb
    plo = cb + f32(_UJLO)
    phi = cb + f32(_UJHI)
    pg = id_gain.astype(f32)
    pp = jnp.concatenate([pa, pb, plo, phi, pg])

    return _spline_sc(
        x.astype(f32),
        w01.reshape(-1), w23.reshape(-1),
        pp,
    )

# --- scband reference (transcript-rebuilt; emitter-appended) ---
"""Pipeline reference for scband-kancubic1-d-4037269258299 (READ-ONLY COPY).

The authoritative reference and input builder live on the scoring server;
editing this copy changes nothing except your own understanding.
"""

import jax, jax.numpy as jnp
import numpy as np

C = 192
K = 32
CLAMP = 1.5
LOW = -1.0
HIGH = 1.0
H = 384
W = 384
B = 1


def setup_inputs(seed: int = 0) -> dict:
    key = jax.random.key(seed)
    k0, k1 = jax.random.split(key, 2)
    x = jax.random.normal(k0, (B, C, H, W), dtype=jnp.float32)
    a = jnp.ones((C,), dtype=jnp.float32)
    b = jnp.zeros((C,), dtype=jnp.float32)
    alpha = jax.random.normal(k1, (C, K), dtype=jnp.float32) * 0.1
    id_gain = jnp.ones((C,), dtype=jnp.float32)
    bias = jnp.zeros((C,), dtype=jnp.float32)
    return {"x": x, "a": a, "b": b, "alpha": alpha, "id_gain": id_gain, "bias": bias}


def _cubic_basis(t):
    t2 = t * t
    t3 = t2 * t
    B0 = (1 - 3 * t + 3 * t2 - t3) / 6.0
    B1 = (4 - 6 * t2 + 3 * t3) / 6.0
    B2 = (1 + 3 * t + 3 * t2 - 3 * t3) / 6.0
    B3 = t3 / 6.0
    return B0, B1, B2, B3


def reference(x, a, b, alpha, id_gain, bias):
    Bn, Cn, Hn, Wn = x.shape
    x_aff = x * a.reshape(1, Cn, 1, 1) + b.reshape(1, Cn, 1, 1)
    x_aff = jnp.clip(x_aff, -CLAMP, CLAMP)
    u = (x_aff - LOW) / (HIGH - LOW) * (K - 1)
    i = jnp.floor(u).astype(jnp.int32)
    t = jnp.clip(u - i.astype(u.dtype), 0.0, 1.0)
    i0 = jnp.clip(i - 1, 0, K - 1)
    i1 = jnp.clip(i, 0, K - 1)
    i2 = jnp.clip(i + 1, 0, K - 1)
    i3 = jnp.clip(i + 2, 0, K - 1)
    al = alpha[None]  # [1, C, K]
    HWn = Hn * Wn

    def gath(idx):
        return jnp.take_along_axis(al, idx.reshape(Bn, Cn, HWn), axis=2).reshape(Bn, Cn, Hn, Wn)

    a0 = gath(i0)
    a1 = gath(i1)
    a2 = gath(i2)
    a3 = gath(i3)
    B0, B1, B2, B3 = _cubic_basis(t)
    spline_val = a0 * B0 + a1 * B1 + a2 * B2 + a3 * B3
    y = id_gain.reshape(1, Cn, 1, 1) * x + spline_val + bias.reshape(1, Cn, 1, 1)
    return y

if __name__ == "__main__":
    import jax
    _d = setup_inputs()
    print(jax.jit(kernel)(*tuple(_d.values())))

</pallas_src>

<mosaic_0001>
#map = affine_map<(d0, d1) -> (0, 0, 0, 0)>
#map1 = affine_map<(d0, d1) -> (0)>
module attributes {stable_mosaic.version = 14 : i64} {
  func.func @_spline_sc(%arg0: i32, %arg1: i32, %arg2: memref<1x192x384x384xf32, #tpu.memory_space<hbm>>, %arg3: memref<9216xi32, #tpu.memory_space<hbm>>, %arg4: memref<9216xi32, #tpu.memory_space<hbm>>, %arg5: memref<960xf32, #tpu.memory_space<hbm>>, %arg6: memref<1x192x384x384xf32, #tpu.memory_space<hbm>>, %arg7: memref<48x384xf32, #tpu.memory_space<vmem>>, %arg8: memref<48x384xf32, #tpu.memory_space<vmem>>, %arg9: memref<48x384xf32, #tpu.memory_space<vmem>>, %arg10: memref<48x384xf32, #tpu.memory_space<vmem>>, %arg11: memref<9216xi32, #tpu.memory_space<vmem>>, %arg12: memref<9216xi32, #tpu.memory_space<vmem>>, %arg13: memref<960xf32, #tpu.memory_space<vmem>>, %arg14: memref<!tpu.dma_semaphore, #tpu.memory_space<semaphore_mem>>, %arg15: memref<!tpu.dma_semaphore, #tpu.memory_space<semaphore_mem>>, %arg16: memref<!tpu.dma_semaphore, #tpu.memory_space<semaphore_mem>>, %arg17: memref<!tpu.dma_semaphore, #tpu.memory_space<semaphore_mem>>) attributes {dimension_semantics = [#tpu.dimension_semantics<core_parallel>, #tpu.dimension_semantics<subcore_parallel>], iteration_bounds = array<i64: 2, 16>, scalar_prefetch = 0 : i64, scratch_operands = 11 : i64, tpu.core_type = #tpu.core_type<sc_vector_subcore>, window_params = [{transform_indices = #map}, {transform_indices = #map1}, {transform_indices = #map1}, {transform_indices = #map1}, {transform_indices = #map}]} {
    %mul3A = arith.constant 2 : i32
    %mul3A_0 = arith.muli %arg1, %mul3A : i32
    %add3A = arith.addi %mul3A_0, %arg0 : i32
    %mul3A_1 = arith.constant 6 : i32
    %mul3A_2 = arith.muli %add3A, %mul3A_1 : i32
    %add3A_3 = arith.constant 0 : i32
    %add3A_4 = arith.addi %mul3A_2, %add3A_3 : i32
    %dma_start3A = arith.constant 0 : i32
    %dma_start3A_5 = arith.constant 0 : i32
    %dma_start3A_6 = arith.constant 0 : i32
    %dma_start3A_7 = tpu.memref_slice %arg2[%dma_start3A, %add3A_4, %dma_start3A_5, %dma_start3A_6] : memref<1x192x384x384xf32, #tpu.memory_space<hbm>> -> memref<1x1x48x384xf32, #tpu.memory_space<hbm>>
    %dma_start3A_8 = tpu.memref_squeeze %dma_start3A_7 : memref<1x1x48x384xf32, #tpu.memory_space<hbm>> -> memref<48x384xf32, #tpu.memory_space<hbm>>
    %dma_start3A_9 = arith.constant 0 : i32
    %dma_start3A_10 = arith.constant 0 : i32
    %dma_start3A_11 = tpu.memref_slice %arg2[%dma_start3A, %add3A_4, %dma_start3A_9, %dma_start3A_10] : memref<1x192x384x384xf32, #tpu.memory_space<hbm>> -> memref<1x1x48x384xf32, #tpu.memory_space<hbm>>
    %dma_start3A_12 = tpu.memref_squeeze %dma_start3A_11 : memref<1x1x48x384xf32, #tpu.memory_space<hbm>> -> memref<48x384xf32, #tpu.memory_space<hbm>>
    tpu.enqueue_dma source(%dma_start3A_12 : memref<48x384xf32, #tpu.memory_space<hbm>>) target(%arg7 : memref<48x384xf32, #tpu.memory_space<vmem>>) target_semaphore(%arg14 : memref<!tpu.dma_semaphore, #tpu.memory_space<semaphore_mem>>)
    %add3A_13 = arith.constant 0 : i32
    %add3A_14 = arith.addi %mul3A_2, %add3A_13 : i32
    %dma_start3A_15 = arith.constant 0 : i32
    %dma_start3A_16 = arith.constant 48 : i32
    %dma_start3A_17 = arith.constant 0 : i32
    %dma_start3A_18 = tpu.memref_slice %arg2[%dma_start3A_15, %add3A_14, %dma_start3A_16, %dma_start3A_17] : memref<1x192x384x384xf32, #tpu.memory_space<hbm>> -> memref<1x1x48x384xf32, #tpu.memory_space<hbm>>
    %dma_start3A_19 = tpu.memref_squeeze %dma_start3A_18 : memref<1x1x48x384xf32, #tpu.memory_space<hbm>> -> memref<48x384xf32, #tpu.memory_space<hbm>>
    %dma_start3A_20 = arith.constant 48 : i32
    %dma_start3A_21 = arith.constant 0 : i32
    %dma_start3A_22 = tpu.memref_slice %arg2[%dma_start3A_15, %add3A_14, %dma_start3A_20, %dma_start3A_21] : memref<1x192x384x384xf32, #tpu.memory_space<hbm>> -> memref<1x1x48x384xf32, #tpu.memory_space<hbm>>
    %dma_start3A_23 = tpu.memref_squeeze %dma_start3A_22 : memref<1x1x48x384xf32, #tpu.memory_space<hbm>> -> memref<48x384xf32, #tpu.memory_space<hbm>>
    tpu.enqueue_dma source(%dma_start3A_23 : memref<48x384xf32, #tpu.memory_space<hbm>>) target(%arg8 : memref<48x384xf32, #tpu.memory_space<vmem>>) target_semaphore(%arg15 : memref<!tpu.dma_semaphore, #tpu.memory_space<semaphore_mem>>)
    "tpu.region"() ({
      %run_scoped3A = tpu.sem_alloc : memref<!tpu.dma_semaphore, #tpu.memory_space<semaphore_mem>>
      tpu.enqueue_dma source(%arg3 : memref<9216xi32, #tpu.memory_space<hbm>>) target(%arg11 : memref<9216xi32, #tpu.memory_space<vmem>>) target_semaphore(%run_scoped3A : memref<!tpu.dma_semaphore, #tpu.memory_space<semaphore_mem>>)
      tpu.wait_dma2 semaphore(%run_scoped3A : memref<!tpu.dma_semaphore, #tpu.memory_space<semaphore_mem>>) src(%arg3 : memref<9216xi32, #tpu.memory_space<hbm>>) dst(%arg11 : memref<9216xi32, #tpu.memory_space<vmem>>)
      tpu.yield
    }) : () -> ()
    "tpu.region"() ({
      %run_scoped3A = tpu.sem_alloc : memref<!tpu.dma_semaphore, #tpu.memory_space<semaphore_mem>>
      tpu.enqueue_dma source(%arg4 : memref<9216xi32, #tpu.memory_space<hbm>>) target(%arg12 : memref<9216xi32, #tpu.memory_space<vmem>>) target_semaphore(%run_scoped3A : memref<!tpu.dma_semaphore, #tpu.memory_space<semaphore_mem>>)
      tpu.wait_dma2 semaphore(%run_scoped3A : memref<!tpu.dma_semaphore, #tpu.memory_space<semaphore_mem>>) src(%arg4 : memref<9216xi32, #tpu.memory_space<hbm>>) dst(%arg12 : memref<9216xi32, #tpu.memory_space<vmem>>)
      tpu.yield
    }) : () -> ()
    "tpu.region"() ({
      %run_scoped3A = tpu.sem_alloc : memref<!tpu.dma_semaphore, #tpu.memory_space<semaphore_mem>>
      tpu.enqueue_dma source(%arg5 : memref<960xf32, #tpu.memory_space<hbm>>) target(%arg13 : memref<960xf32, #tpu.memory_space<vmem>>) target_semaphore(%run_scoped3A : memref<!tpu.dma_semaphore, #tpu.memory_space<semaphore_mem>>)
      tpu.wait_dma2 semaphore(%run_scoped3A : memref<!tpu.dma_semaphore, #tpu.memory_space<semaphore_mem>>) src(%arg5 : memref<960xf32, #tpu.memory_space<hbm>>) dst(%arg13 : memref<960xf32, #tpu.memory_space<vmem>>)
      tpu.yield
    }) : () -> ()
    %scan3A = arith.constant 0 : i32
    %scan3A_24 = arith.constant 0 : i32
    %scan3A_25 = arith.constant 24 : i32
    %scan3A_26 = arith.addi %scan3A_24, %scan3A_25 : i32
    %scan3A_27 = arith.constant 1 : i32
    scf.for %scan3A_48 = %scan3A_24 to %scan3A_26 step %scan3A_27  : i32 {
      %mul3A_49 = arith.constant 2 : i32
      %mul3A_50 = arith.muli %mul3A_49, %scan3A_48 : i32
      %add3A_51 = arith.constant 0 : i32
      %add3A_52 = arith.addi %mul3A_50, %add3A_51 : i32
      %dma_wait3A_53 = arith.constant 0 : i32
      %dma_wait3A_54 = arith.constant 0 : i32
      %dma_wait3A_55 = arith.constant 0 : i32
      %dma_wait3A_56 = arith.constant 0 : i32
      %dma_wait3A_57 = tpu.memref_slice %arg2[%dma_wait3A_53, %dma_wait3A_54, %dma_wait3A_55, %dma_wait3A_56] : memref<1x192x384x384xf32, #tpu.memory_space<hbm>> -> memref<1x1x48x384xf32, #tpu.memory_space<hbm>>
      %dma_wait3A_58 = tpu.memref_squeeze %dma_wait3A_57 : memref<1x1x48x384xf32, #tpu.memory_space<hbm>> -> memref<48x384xf32, #tpu.memory_space<hbm>>
      %dma_wait3A_59 = arith.constant 0 : i32
      %dma_wait3A_60 = arith.constant 0 : i32
      %dma_wait3A_61 = tpu.memref_slice %arg2[%dma_wait3A_53, %dma_wait3A_54, %dma_wait3A_59, %dma_wait3A_60] : memref<1x192x384x384xf32, #tpu.memory_space<hbm>> -> memref<1x1x48x384xf32, #tpu.memory_space<hbm>>
      %dma_wait3A_62 = tpu.memref_squeeze %dma_wait3A_61 : memref<1x1x48x384xf32, #tpu.memory_space<hbm>> -> memref<48x384xf32, #tpu.memory_space<hbm>>
      tpu.wait_dma2 semaphore(%arg14 : memref<!tpu.dma_semaphore, #tpu.memory_space<semaphore_mem>>) src(%dma_wait3A_62 : memref<48x384xf32, #tpu.memory_space<hbm>>) dst(%arg7 : memref<48x384xf32, #tpu.memory_space<vmem>>)
      %ge3A = arith.constant 2 : i32
      %ge3A_63 = arith.cmpi sge, %add3A_52, %ge3A : i32
      %convert_element_type3A = arith.extui %ge3A_63 : i1 to i32
      %cond3A = arith.constant 0 : i32
      %cond3A_64 = arith.cmpi ne, %convert_element_type3A, %cond3A : i32
      scf.if %cond3A_64 {
        %dma_wait3A_311 = arith.constant 0 : i32
        %dma_wait3A_312 = arith.constant 0 : i32
        %dma_wait3A_313 = arith.constant 0 : i32
        %dma_wait3A_314 = arith.constant 0 : i32
        %dma_wait3A_315 = tpu.memref_slice %arg6[%dma_wait3A_311, %dma_wait3A_312, %dma_wait3A_313, %dma_wait3A_314] : memref<1x192x384x384xf32, #tpu.memory_space<hbm>> -> memref<1x1x48x384xf32, #tpu.memory_space<hbm>>
        %dma_wait3A_316 = tpu.memref_squeeze %dma_wait3A_315 : memref<1x1x48x384xf32, #tpu.memory_space<hbm>> -> memref<48x384xf32, #tpu.memory_space<hbm>>
        %dma_wait3A_317 = arith.constant 0 : i32
        %dma_wait3A_318 = arith.constant 0 : i32
        %dma_wait3A_319 = tpu.memref_slice %arg6[%dma_wait3A_311, %dma_wait3A_312, %dma_wait3A_317, %dma_wait3A_318] : memref<1x192x384x384xf32, #tpu.memory_space<hbm>> -> memref<1x1x48x384xf32, #tpu.memory_space<hbm>>
        %dma_wait3A_320 = tpu.memref_squeeze %dma_wait3A_319 : memref<1x1x48x384xf32, #tpu.memory_space<hbm>> -> memref<48x384xf32, #tpu.memory_space<hbm>>
        tpu.wait_dma2 semaphore(%arg16 : memref<!tpu.dma_semaphore, #tpu.memory_space<semaphore_mem>>) src(%arg9 : memref<48x384xf32, #tpu.memory_space<vmem>>) dst(%dma_wait3A_320 : memref<48x384xf32, #tpu.memory_space<hbm>>)
      } else {
      }
      %jit3A = arith.constant 8 : i32
      %div3A = arith.divsi %add3A_52, %jit3A : i32
      %sign3A = arith.constant 0 : i32
      %sign3A_65 = arith.cmpi sgt, %add3A_52, %sign3A : i32
      %sign3A_66 = arith.extui %sign3A_65 : i1 to i32
      %sign3A_67 = arith.constant 0 : i32
      %sign3A_68 = arith.cmpi slt, %add3A_52, %sign3A_67 : i32
      %sign3A_69 = arith.extui %sign3A_68 : i1 to i32
      %sign3A_70 = arith.subi %sign3A_66, %sign3A_69 : i32
      %sign3A_71 = arith.constant 0 : i32
      %sign3A_72 = arith.cmpi sgt, %jit3A, %sign3A_71 : i32
      %sign3A_73 = arith.extui %sign3A_72 : i1 to i32
      %sign3A_74 = arith.constant 0 : i32
      %sign3A_75 = arith.cmpi slt, %jit3A, %sign3A_74 : i32
      %sign3A_76 = arith.extui %sign3A_75 : i1 to i32
      %sign3A_77 = arith.subi %sign3A_73, %sign3A_76 : i32
      %ne3A = arith.cmpi ne, %sign3A_70, %sign3A_77 : i32
      %rem3A = arith.remsi %add3A_52, %jit3A : i32
      %ne3A_78 = arith.constant 0 : i32
      %ne3A_79 = arith.cmpi ne, %rem3A, %ne3A_78 : i32
      %and3A = arith.andi %ne3A, %ne3A_79 : i1
      %sub3A = arith.constant 1 : i32
      %sub3A_80 = arith.subi %div3A, %sub3A : i32
      %select_n3A = arith.select %and3A, %sub3A_80, %div3A : i32
      %add3A_81 = arith.addi %mul3A_2, %select_n3A : i32
      %jit3A_82 = arith.constant 8 : i32
      %eq3A = arith.constant 0 : i32
      %eq3A_83 = arith.cmpi eq, %jit3A_82, %eq3A : i32
      %jit3A_84 = arith.constant 1 : i32
      %select_n3A_85 = arith.select %eq3A_83, %jit3A_84, %jit3A_82 : i32
      %rem3A_86 = arith.remsi %add3A_52, %select_n3A_85 : i32
      %ne3A_87 = arith.constant 0 : i32
      %ne3A_88 = arith.cmpi ne, %rem3A_86, %ne3A_87 : i32
      %lt3A = arith.constant 0 : i32
      %lt3A_89 = arith.cmpi slt, %rem3A_86, %lt3A : i32
      %lt3A_90 = arith.constant 0 : i32
      %lt3A_91 = arith.cmpi slt, %select_n3A_85, %lt3A_90 : i32
      %ne3A_92 = arith.xori %lt3A_89, %lt3A_91 : i1
      %and3A_93 = arith.andi %ne3A_92, %ne3A_88 : i1
      %add3A_94 = arith.addi %rem3A_86, %select_n3A_85 : i32
      %select_n3A_95 = arith.select %and3A_93, %add3A_94, %rem3A_86 : i32
      %mul3A_96 = arith.constant 48 : i32
      %mul3A_97 = arith.muli %select_n3A_95, %mul3A_96 : i32
      %broadcast_in_dim3A = vector.broadcast %add3A_81 : i32 to vector<16xi32>
      %gather3A = tpu.vector_load_idx %arg13[%broadcast_in_dim3A] : memref<960xf32, #tpu.memory_space<vmem>>[vector<16xi32>], vector<16xf32>,
      %add3A_98 = arith.constant 192 : i32
      %add3A_99 = vector.broadcast %add3A_98 : i32 to vector<16xi32>
      %add3A_100 = arith.addi %broadcast_in_dim3A, %add3A_99 : vector<16xi32>
      %gather3A_101 = tpu.vector_load_idx %arg13[%add3A_100] : memref<960xf32, #tpu.memory_space<vmem>>[vector<16xi32>], vector<16xf32>,
      %add3A_102 = arith.constant 384 : i32
      %add3A_103 = vector.broadcast %add3A_102 : i32 to vector<16xi32>
      %add3A_104 = arith.addi %broadcast_in_dim3A, %add3A_103 : vector<16xi32>
      %gather3A_105 = tpu.vector_load_idx %arg13[%add3A_104] : memref<960xf32, #tpu.memory_space<vmem>>[vector<16xi32>], vector<16xf32>,
      %add3A_106 = arith.constant 576 : i32
      %add3A_107 = vector.broadcast %add3A_106 : i32 to vector<16xi32>
      %add3A_108 = arith.addi %broadcast_in_dim3A, %add3A_107 : vector<16xi32>
      %gather3A_109 = tpu.vector_load_idx %arg13[%add3A_108] : memref<960xf32, #tpu.memory_space<vmem>>[vector<16xi32>], vector<16xf32>,
      %add3A_110 = arith.constant 768 : i32
      %add3A_111 = vector.broadcast %add3A_110 : i32 to vector<16xi32>
      %add3A_112 = arith.addi %broadcast_in_dim3A, %add3A_111 : vector<16xi32>
      %gather3A_113 = tpu.vector_load_idx %arg13[%add3A_112] : memref<960xf32, #tpu.memory_space<vmem>>[vector<16xi32>], vector<16xf32>,
      %parallel_loop3A = arith.constant 0 : i32
      %parallel_loop3A_114 = arith.constant 1152 : i32
      %parallel_loop3A_115 = arith.constant 1 : i32
      scf.for %parallel_loop3A_311 = %parallel_loop3A to %parallel_loop3A_114 step %parallel_loop3A_115  : i32 {
        %parallel_loop3A_312 = arith.constant 24 : i32
        %parallel_loop3A_313 = arith.divsi %parallel_loop3A_311, %parallel_loop3A_312 : i32
        %parallel_loop3A_314 = arith.constant 0 : i32
        %parallel_loop3A_315 = arith.cmpi sgt, %parallel_loop3A_311, %parallel_loop3A_314 : i32
        %parallel_loop3A_316 = arith.extui %parallel_loop3A_315 : i1 to i32
        %parallel_loop3A_317 = arith.constant 0 : i32
        %parallel_loop3A_318 = arith.cmpi slt, %parallel_loop3A_311, %parallel_loop3A_317 : i32
        %parallel_loop3A_319 = arith.extui %parallel_loop3A_318 : i1 to i32
        %parallel_loop3A_320 = arith.subi %parallel_loop3A_316, %parallel_loop3A_319 : i32
        %parallel_loop3A_321 = arith.constant 0 : i32
        %parallel_loop3A_322 = arith.cmpi sgt, %parallel_loop3A_312, %parallel_loop3A_321 : i32
        %parallel_loop3A_323 = arith.extui %parallel_loop3A_322 : i1 to i32
        %parallel_loop3A_324 = arith.constant 0 : i32
        %parallel_loop3A_325 = arith.cmpi slt, %parallel_loop3A_312, %parallel_loop3A_324 : i32
        %parallel_loop3A_326 = arith.extui %parallel_loop3A_325 : i1 to i32
        %parallel_loop3A_327 = arith.subi %parallel_loop3A_323, %parallel_loop3A_326 : i32
        %parallel_loop3A_328 = arith.cmpi ne, %parallel_loop3A_320, %parallel_loop3A_327 : i32
        %parallel_loop3A_329 = arith.remsi %parallel_loop3A_311, %parallel_loop3A_312 : i32
        %parallel_loop3A_330 = arith.constant 0 : i32
        %parallel_loop3A_331 = arith.cmpi ne, %parallel_loop3A_329, %parallel_loop3A_330 : i32
        %parallel_loop3A_332 = arith.andi %parallel_loop3A_328, %parallel_loop3A_331 : i1
        %parallel_loop3A_333 = arith.constant 1 : i32
        %parallel_loop3A_334 = arith.subi %parallel_loop3A_313, %parallel_loop3A_333 : i32
        %parallel_loop3A_335 = arith.select %parallel_loop3A_332, %parallel_loop3A_334, %parallel_loop3A_313 : i32
        %parallel_loop3A_336 = arith.constant 24 : i32
        %parallel_loop3A_337 = arith.muli %parallel_loop3A_335, %parallel_loop3A_336 : i32
        %parallel_loop3A_338 = arith.subi %parallel_loop3A_311, %parallel_loop3A_337 : i32
        %parallel_loop3A_339 = arith.constant 16 : i32
        %parallel_loop3A_340 = arith.muli %parallel_loop3A_338, %parallel_loop3A_339 : i32
        %parallel_loop3A_341 = arith.index_cast %parallel_loop3A_335 : i32 to index
        %parallel_loop3A_342 = arith.index_cast %parallel_loop3A_340 : i32 to index
        %parallel_loop3A_343 = tpu.vector_load %arg7[%parallel_loop3A_341, %parallel_loop3A_342] {strides = array<i32>} : memref<48x384xf32, #tpu.memory_space<vmem>>, vector<16xf32>,
        %parallel_loop3A_344 = arith.mulf %parallel_loop3A_343, %gather3A : vector<16xf32>
        %parallel_loop3A_345 = arith.addf %parallel_loop3A_344, %gather3A_101 : vector<16xf32>
        %parallel_loop3A_346 = arith.minimumf %parallel_loop3A_345, %gather3A_109 : vector<16xf32>
        %parallel_loop3A_347 = arith.maximumf %parallel_loop3A_346, %gather3A_105 : vector<16xf32>
        %parallel_loop3A_348 = arith.fptosi %parallel_loop3A_347 : vector<16xf32> to vector<16xi32>
        %parallel_loop3A_349 = arith.sitofp %parallel_loop3A_348 : vector<16xi32> to vector<16xf32>
        %parallel_loop3A_350 = arith.subf %parallel_loop3A_347, %parallel_loop3A_349 : vector<16xf32>
        %parallel_loop3A_351 = tpu.vector_load_idx %arg11[%parallel_loop3A_348] : memref<9216xi32, #tpu.memory_space<vmem>>[vector<16xi32>], vector<16xi32>,
        %parallel_loop3A_352 = tpu.vector_load_idx %arg12[%parallel_loop3A_348] : memref<9216xi32, #tpu.memory_space<vmem>>[vector<16xi32>], vector<16xi32>,
        %parallel_loop3A_353 = arith.constant 16 : i32
        %parallel_loop3A_354 = vector.broadcast %parallel_loop3A_353 : i32 to vector<16xi32>
        %parallel_loop3A_355 = arith.shli %parallel_loop3A_351, %parallel_loop3A_354 : vector<16xi32>
        %parallel_loop3A_356 = vector.bitcast %parallel_loop3A_355 : vector<16xi32> to vector<16xf32>
        %parallel_loop3A_357 = arith.constant -65536 : i32
        %parallel_loop3A_358 = vector.broadcast %parallel_loop3A_357 : i32 to vector<16xi32>
        %parallel_loop3A_359 = arith.andi %parallel_loop3A_351, %parallel_loop3A_358 : vector<16xi32>
        %parallel_loop3A_360 = vector.bitcast %parallel_loop3A_359 : vector<16xi32> to vector<16xf32>
        %parallel_loop3A_361 = arith.constant 16 : i32
        %parallel_loop3A_362 = vector.broadcast %parallel_loop3A_361 : i32 to vector<16xi32>
        %parallel_loop3A_363 = arith.shli %parallel_loop3A_352, %parallel_loop3A_362 : vector<16xi32>
        %parallel_loop3A_364 = vector.bitcast %parallel_loop3A_363 : vector<16xi32> to vector<16xf32>
        %parallel_loop3A_365 = arith.constant -65536 : i32
        %parallel_loop3A_366 = vector.broadcast %parallel_loop3A_365 : i32 to vector<16xi32>
        %parallel_loop3A_367 = arith.andi %parallel_loop3A_352, %parallel_loop3A_366 : vector<16xi32>
        %parallel_loop3A_368 = vector.bitcast %parallel_loop3A_367 : vector<16xi32> to vector<16xf32>
        %parallel_loop3A_369 = arith.mulf %parallel_loop3A_368, %parallel_loop3A_350 : vector<16xf32>
        %parallel_loop3A_370 = arith.addf %parallel_loop3A_369, %parallel_loop3A_364 : vector<16xf32>
        %parallel_loop3A_371 = arith.mulf %parallel_loop3A_370, %parallel_loop3A_350 : vector<16xf32>
        %parallel_loop3A_372 = arith.addf %parallel_loop3A_371, %parallel_loop3A_360 : vector<16xf32>
        %parallel_loop3A_373 = arith.mulf %parallel_loop3A_372, %parallel_loop3A_350 : vector<16xf32>
        %parallel_loop3A_374 = arith.addf %parallel_loop3A_373, %parallel_loop3A_356 : vector<16xf32>
        %parallel_loop3A_375 = arith.mulf %parallel_loop3A_343, %gather3A_113 : vector<16xf32>
        %parallel_loop3A_376 = arith.addf %parallel_loop3A_375, %parallel_loop3A_374 : vector<16xf32>
        %parallel_loop3A_377 = arith.index_cast %parallel_loop3A_335 : i32 to index
        %parallel_loop3A_378 = arith.index_cast %parallel_loop3A_340 : i32 to index
        %parallel_loop3A_379 = tpu.vector_load %arg9[%parallel_loop3A_377, %parallel_loop3A_378] {strides = array<i32>} : memref<48x384xf32, #tpu.memory_space<vmem>>, vector<16xf32>,
        tpu.vector_store %arg9[%parallel_loop3A_377, %parallel_loop3A_378], %parallel_loop3A_376 {strides = array<i32>} : memref<48x384xf32, #tpu.memory_space<vmem>>, vector<16xf32>,
      } {sc.loop_unroll_factor = 8 : i64, sc.parallel_access}
      %jit3A_116 = arith.constant 8 : i32
      %div3A_117 = arith.divsi %add3A_52, %jit3A_116 : i32
      %sign3A_118 = arith.constant 0 : i32
      %sign3A_119 = arith.cmpi sgt, %add3A_52, %sign3A_118 : i32
      %sign3A_120 = arith.extui %sign3A_119 : i1 to i32
      %sign3A_121 = arith.constant 0 : i32
      %sign3A_122 = arith.cmpi slt, %add3A_52, %sign3A_121 : i32
      %sign3A_123 = arith.extui %sign3A_122 : i1 to i32
      %sign3A_124 = arith.subi %sign3A_120, %sign3A_123 : i32
      %sign3A_125 = arith.constant 0 : i32
      %sign3A_126 = arith.cmpi sgt, %jit3A_116, %sign3A_125 : i32
      %sign3A_127 = arith.extui %sign3A_126 : i1 to i32
      %sign3A_128 = arith.constant 0 : i32
      %sign3A_129 = arith.cmpi slt, %jit3A_116, %sign3A_128 : i32
      %sign3A_130 = arith.extui %sign3A_129 : i1 to i32
      %sign3A_131 = arith.subi %sign3A_127, %sign3A_130 : i32
      %ne3A_132 = arith.cmpi ne, %sign3A_124, %sign3A_131 : i32
      %rem3A_133 = arith.remsi %add3A_52, %jit3A_116 : i32
      %ne3A_134 = arith.constant 0 : i32
      %ne3A_135 = arith.cmpi ne, %rem3A_133, %ne3A_134 : i32
      %and3A_136 = arith.andi %ne3A_132, %ne3A_135 : i1
      %sub3A_137 = arith.constant 1 : i32
      %sub3A_138 = arith.subi %div3A_117, %sub3A_137 : i32
      %select_n3A_139 = arith.select %and3A_136, %sub3A_138, %div3A_117 : i32
      %add3A_140 = arith.addi %mul3A_2, %select_n3A_139 : i32
      %jit3A_141 = arith.constant 8 : i32
      %eq3A_142 = arith.constant 0 : i32
      %eq3A_143 = arith.cmpi eq, %jit3A_141, %eq3A_142 : i32
      %jit3A_144 = arith.constant 1 : i32
      %select_n3A_145 = arith.select %eq3A_143, %jit3A_144, %jit3A_141 : i32
      %rem3A_146 = arith.remsi %add3A_52, %select_n3A_145 : i32
      %ne3A_147 = arith.constant 0 : i32
      %ne3A_148 = arith.cmpi ne, %rem3A_146, %ne3A_147 : i32
      %lt3A_149 = arith.constant 0 : i32
      %lt3A_150 = arith.cmpi slt, %rem3A_146, %lt3A_149 : i32
      %lt3A_151 = arith.constant 0 : i32
      %lt3A_152 = arith.cmpi slt, %select_n3A_145, %lt3A_151 : i32
      %ne3A_153 = arith.xori %lt3A_150, %lt3A_152 : i1
      %and3A_154 = arith.andi %ne3A_153, %ne3A_148 : i1
      %add3A_155 = arith.addi %rem3A_146, %select_n3A_145 : i32
      %select_n3A_156 = arith.select %and3A_154, %add3A_155, %rem3A_146 : i32
      %mul3A_157 = arith.constant 48 : i32
      %mul3A_158 = arith.muli %select_n3A_156, %mul3A_157 : i32
      %dma_start3A_159 = arith.constant 0 : i32
      %dma_start3A_160 = arith.constant 0 : i32
      %dma_start3A_161 = tpu.memref_slice %arg6[%dma_start3A_159, %add3A_140, %mul3A_158, %dma_start3A_160] : memref<1x192x384x384xf32, #tpu.memory_space<hbm>> -> memref<1x1x48x384xf32, #tpu.memory_space<hbm>>
      %dma_start3A_162 = tpu.memref_squeeze %dma_start3A_161 : memref<1x1x48x384xf32, #tpu.memory_space<hbm>> -> memref<48x384xf32, #tpu.memory_space<hbm>>
      %dma_start3A_163 = arith.constant 0 : i32
      %dma_start3A_164 = tpu.memref_slice %arg6[%dma_start3A_159, %add3A_140, %mul3A_158, %dma_start3A_163] : memref<1x192x384x384xf32, #tpu.memory_space<hbm>> -> memref<1x1x48x384xf32, #tpu.memory_space<hbm>>
      %dma_start3A_165 = tpu.memref_squeeze %dma_start3A_164 : memref<1x1x48x384xf32, #tpu.memory_space<hbm>> -> memref<48x384xf32, #tpu.memory_space<hbm>>
      tpu.enqueue_dma source(%arg9 : memref<48x384xf32, #tpu.memory_space<vmem>>) target(%dma_start3A_165 : memref<48x384xf32, #tpu.memory_space<hbm>>) target_semaphore(%arg16 : memref<!tpu.dma_semaphore, #tpu.memory_space<semaphore_mem>>)
      %add3A_166 = arith.constant 2 : i32
      %add3A_167 = arith.addi %add3A_52, %add3A_166 : i32
      %lt3A_168 = arith.constant 48 : i32
      %lt3A_169 = arith.cmpi slt, %add3A_167, %lt3A_168 : i32
      %convert_element_type3A_170 = arith.extui %lt3A_169 : i1 to i32
      %cond3A_171 = arith.constant 0 : i32
      %cond3A_172 = arith.cmpi ne, %convert_element_type3A_170, %cond3A_171 : i32
      scf.if %cond3A_172 {
        %add3A_311 = arith.constant 2 : i32
        %add3A_312 = arith.addi %add3A_52, %add3A_311 : i32
        %jit3A_313 = arith.constant 8 : i32
        %div3A_314 = arith.divsi %add3A_312, %jit3A_313 : i32
        %sign3A_315 = arith.constant 0 : i32
        %sign3A_316 = arith.cmpi sgt, %add3A_312, %sign3A_315 : i32
        %sign3A_317 = arith.extui %sign3A_316 : i1 to i32
        %sign3A_318 = arith.constant 0 : i32
        %sign3A_319 = arith.cmpi slt, %add3A_312, %sign3A_318 : i32
        %sign3A_320 = arith.extui %sign3A_319 : i1 to i32
        %sign3A_321 = arith.subi %sign3A_317, %sign3A_320 : i32
        %sign3A_322 = arith.constant 0 : i32
        %sign3A_323 = arith.cmpi sgt, %jit3A_313, %sign3A_322 : i32
        %sign3A_324 = arith.extui %sign3A_323 : i1 to i32
        %sign3A_325 = arith.constant 0 : i32
        %sign3A_326 = arith.cmpi slt, %jit3A_313, %sign3A_325 : i32
        %sign3A_327 = arith.extui %sign3A_326 : i1 to i32
        %sign3A_328 = arith.subi %sign3A_324, %sign3A_327 : i32
        %ne3A_329 = arith.cmpi ne, %sign3A_321, %sign3A_328 : i32
        %rem3A_330 = arith.remsi %add3A_312, %jit3A_313 : i32
        %ne3A_331 = arith.constant 0 : i32
        %ne3A_332 = arith.cmpi ne, %rem3A_330, %ne3A_331 : i32
        %and3A_333 = arith.andi %ne3A_329, %ne3A_332 : i1
        %sub3A_334 = arith.constant 1 : i32
        %sub3A_335 = arith.subi %div3A_314, %sub3A_334 : i32
        %select_n3A_336 = arith.select %and3A_333, %sub3A_335, %div3A_314 : i32
        %add3A_337 = arith.addi %mul3A_2, %select_n3A_336 : i32
        %jit3A_338 = arith.constant 8 : i32
        %eq3A_339 = arith.constant 0 : i32
        %eq3A_340 = arith.cmpi eq, %jit3A_338, %eq3A_339 : i32
        %jit3A_341 = arith.constant 1 : i32
        %select_n3A_342 = arith.select %eq3A_340, %jit3A_341, %jit3A_338 : i32
        %rem3A_343 = arith.remsi %add3A_312, %select_n3A_342 : i32
        %ne3A_344 = arith.constant 0 : i32
        %ne3A_345 = arith.cmpi ne, %rem3A_343, %ne3A_344 : i32
        %lt3A_346 = arith.constant 0 : i32
        %lt3A_347 = arith.cmpi slt, %rem3A_343, %lt3A_346 : i32
        %lt3A_348 = arith.constant 0 : i32
        %lt3A_349 = arith.cmpi slt, %select_n3A_342, %lt3A_348 : i32
        %ne3A_350 = arith.xori %lt3A_347, %lt3A_349 : i1
        %and3A_351 = arith.andi %ne3A_350, %ne3A_345 : i1
        %add3A_352 = arith.addi %rem3A_343, %select_n3A_342 : i32
        %select_n3A_353 = arith.select %and3A_351, %add3A_352, %rem3A_343 : i32
        %mul3A_354 = arith.constant 48 : i32
        %mul3A_355 = arith.muli %select_n3A_353, %mul3A_354 : i32
        %dma_start3A_356 = arith.constant 0 : i32
        %dma_start3A_357 = arith.constant 0 : i32
        %dma_start3A_358 = tpu.memref_slice %arg2[%dma_start3A_356, %add3A_337, %mul3A_355, %dma_start3A_357] : memref<1x192x384x384xf32, #tpu.memory_space<hbm>> -> memref<1x1x48x384xf32, #tpu.memory_space<hbm>>
        %dma_start3A_359 = tpu.memref_squeeze %dma_start3A_358 : memref<1x1x48x384xf32, #tpu.memory_space<hbm>> -> memref<48x384xf32, #tpu.memory_space<hbm>>
        %dma_start3A_360 = arith.constant 0 : i32
        %dma_start3A_361 = tpu.memref_slice %arg2[%dma_start3A_356, %add3A_337, %mul3A_355, %dma_start3A_360] : memref<1x192x384x384xf32, #tpu.memory_space<hbm>> -> memref<1x1x48x384xf32, #tpu.memory_space<hbm>>
        %dma_start3A_362 = tpu.memref_squeeze %dma_start3A_361 : memref<1x1x48x384xf32, #tpu.memory_space<hbm>> -> memref<48x384xf32, #tpu.memory_space<hbm>>
        tpu.enqueue_dma source(%dma_start3A_362 : memref<48x384xf32, #tpu.memory_space<hbm>>) target(%arg7 : memref<48x384xf32, #tpu.memory_space<vmem>>) target_semaphore(%arg14 : memref<!tpu.dma_semaphore, #tpu.memory_space<semaphore_mem>>)
      } else {
      }
      %add3A_173 = arith.constant 1 : i32
      %add3A_174 = arith.addi %mul3A_50, %add3A_173 : i32
      %dma_wait3A_175 = arith.constant 0 : i32
      %dma_wait3A_176 = arith.constant 0 : i32
      %dma_wait3A_177 = arith.constant 0 : i32
      %dma_wait3A_178 = arith.constant 0 : i32
      %dma_wait3A_179 = tpu.memref_slice %arg2[%dma_wait3A_175, %dma_wait3A_176, %dma_wait3A_177, %dma_wait3A_178] : memref<1x192x384x384xf32, #tpu.memory_space<hbm>> -> memref<1x1x48x384xf32, #tpu.memory_space<hbm>>
      %dma_wait3A_180 = tpu.memref_squeeze %dma_wait3A_179 : memref<1x1x48x384xf32, #tpu.memory_space<hbm>> -> memref<48x384xf32, #tpu.memory_space<hbm>>
      %dma_wait3A_181 = arith.constant 0 : i32
      %dma_wait3A_182 = arith.constant 0 : i32
      %dma_wait3A_183 = tpu.memref_slice %arg2[%dma_wait3A_175, %dma_wait3A_176, %dma_wait3A_181, %dma_wait3A_182] : memref<1x192x384x384xf32, #tpu.memory_space<hbm>> -> memref<1x1x48x384xf32, #tpu.memory_space<hbm>>
      %dma_wait3A_184 = tpu.memref_squeeze %dma_wait3A_183 : memref<1x1x48x384xf32, #tpu.memory_space<hbm>> -> memref<48x384xf32, #tpu.memory_space<hbm>>
      tpu.wait_dma2 semaphore(%arg15 : memref<!tpu.dma_semaphore, #tpu.memory_space<semaphore_mem>>) src(%dma_wait3A_184 : memref<48x384xf32, #tpu.memory_space<hbm>>) dst(%arg8 : memref<48x384xf32, #tpu.memory_space<vmem>>)
      %ge3A_185 = arith.constant 2 : i32
      %ge3A_186 = arith.cmpi sge, %add3A_174, %ge3A_185 : i32
      %convert_element_type3A_187 = arith.extui %ge3A_186 : i1 to i32
      %cond3A_188 = arith.constant 0 : i32
      %cond3A_189 = arith.cmpi ne, %convert_element_type3A_187, %cond3A_188 : i32
      scf.if %cond3A_189 {
        %dma_wait3A_311 = arith.constant 0 : i32
        %dma_wait3A_312 = arith.constant 0 : i32
        %dma_wait3A_313 = arith.constant 0 : i32
        %dma_wait3A_314 = arith.constant 0 : i32
        %dma_wait3A_315 = tpu.memref_slice %arg6[%dma_wait3A_311, %dma_wait3A_312, %dma_wait3A_313, %dma_wait3A_314] : memref<1x192x384x384xf32, #tpu.memory_space<hbm>> -> memref<1x1x48x384xf32, #tpu.memory_space<hbm>>
        %dma_wait3A_316 = tpu.memref_squeeze %dma_wait3A_315 : memref<1x1x48x384xf32, #tpu.memory_space<hbm>> -> memref<48x384xf32, #tpu.memory_space<hbm>>
        %dma_wait3A_317 = arith.constant 0 : i32
        %dma_wait3A_318 = arith.constant 0 : i32
        %dma_wait3A_319 = tpu.memref_slice %arg6[%dma_wait3A_311, %dma_wait3A_312, %dma_wait3A_317, %dma_wait3A_318] : memref<1x192x384x384xf32, #tpu.memory_space<hbm>> -> memref<1x1x48x384xf32, #tpu.memory_space<hbm>>
        %dma_wait3A_320 = tpu.memref_squeeze %dma_wait3A_319 : memref<1x1x48x384xf32, #tpu.memory_space<hbm>> -> memref<48x384xf32, #tpu.memory_space<hbm>>
        tpu.wait_dma2 semaphore(%arg17 : memref<!tpu.dma_semaphore, #tpu.memory_space<semaphore_mem>>) src(%arg10 : memref<48x384xf32, #tpu.memory_space<vmem>>) dst(%dma_wait3A_320 : memref<48x384xf32, #tpu.memory_space<hbm>>)
      } else {
      }
      %jit3A_190 = arith.constant 8 : i32
      %div3A_191 = arith.divsi %add3A_174, %jit3A_190 : i32
      %sign3A_192 = arith.constant 0 : i32
      %sign3A_193 = arith.cmpi sgt, %add3A_174, %sign3A_192 : i32
      %sign3A_194 = arith.extui %sign3A_193 : i1 to i32
      %sign3A_195 = arith.constant 0 : i32
      %sign3A_196 = arith.cmpi slt, %add3A_174, %sign3A_195 : i32
      %sign3A_197 = arith.extui %sign3A_196 : i1 to i32
      %sign3A_198 = arith.subi %sign3A_194, %sign3A_197 : i32
      %sign3A_199 = arith.constant 0 : i32
      %sign3A_200 = arith.cmpi sgt, %jit3A_190, %sign3A_199 : i32
      %sign3A_201 = arith.extui %sign3A_200 : i1 to i32
      %sign3A_202 = arith.constant 0 : i32
      %sign3A_203 = arith.cmpi slt, %jit3A_190, %sign3A_202 : i32
      %sign3A_204 = arith.extui %sign3A_203 : i1 to i32
      %sign3A_205 = arith.subi %sign3A_201, %sign3A_204 : i32
      %ne3A_206 = arith.cmpi ne, %sign3A_198, %sign3A_205 : i32
      %rem3A_207 = arith.remsi %add3A_174, %jit3A_190 : i32
      %ne3A_208 = arith.constant 0 : i32
      %ne3A_209 = arith.cmpi ne, %rem3A_207, %ne3A_208 : i32
      %and3A_210 = arith.andi %ne3A_206, %ne3A_209 : i1
      %sub3A_211 = arith.constant 1 : i32
      %sub3A_212 = arith.subi %div3A_191, %sub3A_211 : i32
      %select_n3A_213 = arith.select %and3A_210, %sub3A_212, %div3A_191 : i32
      %add3A_214 = arith.addi %mul3A_2, %select_n3A_213 : i32
      %jit3A_215 = arith.constant 8 : i32
      %eq3A_216 = arith.constant 0 : i32
      %eq3A_217 = arith.cmpi eq, %jit3A_215, %eq3A_216 : i32
      %jit3A_218 = arith.constant 1 : i32
      %select_n3A_219 = arith.select %eq3A_217, %jit3A_218, %jit3A_215 : i32
      %rem3A_220 = arith.remsi %add3A_174, %select_n3A_219 : i32
      %ne3A_221 = arith.constant 0 : i32
      %ne3A_222 = arith.cmpi ne, %rem3A_220, %ne3A_221 : i32
      %lt3A_223 = arith.constant 0 : i32
      %lt3A_224 = arith.cmpi slt, %rem3A_220, %lt3A_223 : i32
      %lt3A_225 = arith.constant 0 : i32
      %lt3A_226 = arith.cmpi slt, %select_n3A_219, %lt3A_225 : i32
      %ne3A_227 = arith.xori %lt3A_224, %lt3A_226 : i1
      %and3A_228 = arith.andi %ne3A_227, %ne3A_222 : i1
      %add3A_229 = arith.addi %rem3A_220, %select_n3A_219 : i32
      %select_n3A_230 = arith.select %and3A_228, %add3A_229, %rem3A_220 : i32
      %mul3A_231 = arith.constant 48 : i32
      %mul3A_232 = arith.muli %select_n3A_230, %mul3A_231 : i32
      %broadcast_in_dim3A_233 = vector.broadcast %add3A_214 : i32 to vector<16xi32>
      %gather3A_234 = tpu.vector_load_idx %arg13[%broadcast_in_dim3A_233] : memref<960xf32, #tpu.memory_space<vmem>>[vector<16xi32>], vector<16xf32>,
      %add3A_235 = arith.constant 192 : i32
      %add3A_236 = vector.broadcast %add3A_235 : i32 to vector<16xi32>
      %add3A_237 = arith.addi %broadcast_in_dim3A_233, %add3A_236 : vector<16xi32>
      %gather3A_238 = tpu.vector_load_idx %arg13[%add3A_237] : memref<960xf32, #tpu.memory_space<vmem>>[vector<16xi32>], vector<16xf32>,
      %add3A_239 = arith.constant 384 : i32
      %add3A_240 = vector.broadcast %add3A_239 : i32 to vector<16xi32>
      %add3A_241 = arith.addi %broadcast_in_dim3A_233, %add3A_240 : vector<16xi32>
      %gather3A_242 = tpu.vector_load_idx %arg13[%add3A_241] : memref<960xf32, #tpu.memory_space<vmem>>[vector<16xi32>], vector<16xf32>,
      %add3A_243 = arith.constant 576 : i32
      %add3A_244 = vector.broadcast %add3A_243 : i32 to vector<16xi32>
      %add3A_245 = arith.addi %broadcast_in_dim3A_233, %add3A_244 : vector<16xi32>
      %gather3A_246 = tpu.vector_load_idx %arg13[%add3A_245] : memref<960xf32, #tpu.memory_space<vmem>>[vector<16xi32>], vector<16xf32>,
      %add3A_247 = arith.constant 768 : i32
      %add3A_248 = vector.broadcast %add3A_247 : i32 to vector<16xi32>
      %add3A_249 = arith.addi %broadcast_in_dim3A_233, %add3A_248 : vector<16xi32>
      %gather3A_250 = tpu.vector_load_idx %arg13[%add3A_249] : memref<960xf32, #tpu.memory_space<vmem>>[vector<16xi32>], vector<16xf32>,
      %parallel_loop3A_251 = arith.constant 0 : i32
      %parallel_loop3A_252 = arith.constant 1152 : i32
      %parallel_loop3A_253 = arith.constant 1 : i32
      scf.for %parallel_loop3A_311 = %parallel_loop3A_251 to %parallel_loop3A_252 step %parallel_loop3A_253  : i32 {
        %parallel_loop3A_312 = arith.constant 24 : i32
        %parallel_loop3A_313 = arith.divsi %parallel_loop3A_311, %parallel_loop3A_312 : i32
        %parallel_loop3A_314 = arith.constant 0 : i32
        %parallel_loop3A_315 = arith.cmpi sgt, %parallel_loop3A_311, %parallel_loop3A_314 : i32
        %parallel_loop3A_316 = arith.extui %parallel_loop3A_315 : i1 to i32
        %parallel_loop3A_317 = arith.constant 0 : i32
        %parallel_loop3A_318 = arith.cmpi slt, %parallel_loop3A_311, %parallel_loop3A_317 : i32
        %parallel_loop3A_319 = arith.extui %parallel_loop3A_318 : i1 to i32
        %parallel_loop3A_320 = arith.subi %parallel_loop3A_316, %parallel_loop3A_319 : i32
        %parallel_loop3A_321 = arith.constant 0 : i32
        %parallel_loop3A_322 = arith.cmpi sgt, %parallel_loop3A_312, %parallel_loop3A_321 : i32
        %parallel_loop3A_323 = arith.extui %parallel_loop3A_322 : i1 to i32
        %parallel_loop3A_324 = arith.constant 0 : i32
        %parallel_loop3A_325 = arith.cmpi slt, %parallel_loop3A_312, %parallel_loop3A_324 : i32
        %parallel_loop3A_326 = arith.extui %parallel_loop3A_325 : i1 to i32
        %parallel_loop3A_327 = arith.subi %parallel_loop3A_323, %parallel_loop3A_326 : i32
        %parallel_loop3A_328 = arith.cmpi ne, %parallel_loop3A_320, %parallel_loop3A_327 : i32
        %parallel_loop3A_329 = arith.remsi %parallel_loop3A_311, %parallel_loop3A_312 : i32
        %parallel_loop3A_330 = arith.constant 0 : i32
        %parallel_loop3A_331 = arith.cmpi ne, %parallel_loop3A_329, %parallel_loop3A_330 : i32
        %parallel_loop3A_332 = arith.andi %parallel_loop3A_328, %parallel_loop3A_331 : i1
        %parallel_loop3A_333 = arith.constant 1 : i32
        %parallel_loop3A_334 = arith.subi %parallel_loop3A_313, %parallel_loop3A_333 : i32
        %parallel_loop3A_335 = arith.select %parallel_loop3A_332, %parallel_loop3A_334, %parallel_loop3A_313 : i32
        %parallel_loop3A_336 = arith.constant 24 : i32
        %parallel_loop3A_337 = arith.muli %parallel_loop3A_335, %parallel_loop3A_336 : i32
        %parallel_loop3A_338 = arith.subi %parallel_loop3A_311, %parallel_loop3A_337 : i32
        %parallel_loop3A_339 = arith.constant 16 : i32
        %parallel_loop3A_340 = arith.muli %parallel_loop3A_338, %parallel_loop3A_339 : i32
        %parallel_loop3A_341 = arith.index_cast %parallel_loop3A_335 : i32 to index
        %parallel_loop3A_342 = arith.index_cast %parallel_loop3A_340 : i32 to index
        %parallel_loop3A_343 = tpu.vector_load %arg8[%parallel_loop3A_341, %parallel_loop3A_342] {strides = array<i32>} : memref<48x384xf32, #tpu.memory_space<vmem>>, vector<16xf32>,
        %parallel_loop3A_344 = arith.mulf %parallel_loop3A_343, %gather3A_234 : vector<16xf32>
        %parallel_loop3A_345 = arith.addf %parallel_loop3A_344, %gather3A_238 : vector<16xf32>
        %parallel_loop3A_346 = arith.minimumf %parallel_loop3A_345, %gather3A_246 : vector<16xf32>
        %parallel_loop3A_347 = arith.maximumf %parallel_loop3A_346, %gather3A_242 : vector<16xf32>
        %parallel_loop3A_348 = arith.fptosi %parallel_loop3A_347 : vector<16xf32> to vector<16xi32>
        %parallel_loop3A_349 = arith.sitofp %parallel_loop3A_348 : vector<16xi32> to vector<16xf32>
        %parallel_loop3A_350 = arith.subf %parallel_loop3A_347, %parallel_loop3A_349 : vector<16xf32>
        %parallel_loop3A_351 = tpu.vector_load_idx %arg11[%parallel_loop3A_348] : memref<9216xi32, #tpu.memory_space<vmem>>[vector<16xi32>], vector<16xi32>,
        %parallel_loop3A_352 = tpu.vector_load_idx %arg12[%parallel_loop3A_348] : memref<9216xi32, #tpu.memory_space<vmem>>[vector<16xi32>], vector<16xi32>,
        %parallel_loop3A_353 = arith.constant 16 : i32
        %parallel_loop3A_354 = vector.broadcast %parallel_loop3A_353 : i32 to vector<16xi32>
        %parallel_loop3A_355 = arith.shli %parallel_loop3A_351, %parallel_loop3A_354 : vector<16xi32>
        %parallel_loop3A_356 = vector.bitcast %parallel_loop3A_355 : vector<16xi32> to vector<16xf32>
        %parallel_loop3A_357 = arith.constant -65536 : i32
        %parallel_loop3A_358 = vector.broadcast %parallel_loop3A_357 : i32 to vector<16xi32>
        %parallel_loop3A_359 = arith.andi %parallel_loop3A_351, %parallel_loop3A_358 : vector<16xi32>
        %parallel_loop3A_360 = vector.bitcast %parallel_loop3A_359 : vector<16xi32> to vector<16xf32>
        %parallel_loop3A_361 = arith.constant 16 : i32
        %parallel_loop3A_362 = vector.broadcast %parallel_loop3A_361 : i32 to vector<16xi32>
        %parallel_loop3A_363 = arith.shli %parallel_loop3A_352, %parallel_loop3A_362 : vector<16xi32>
        %parallel_loop3A_364 = vector.bitcast %parallel_loop3A_363 : vector<16xi32> to vector<16xf32>
        %parallel_loop3A_365 = arith.constant -65536 : i32
        %parallel_loop3A_366 = vector.broadcast %parallel_loop3A_365 : i32 to vector<16xi32>
        %parallel_loop3A_367 = arith.andi %parallel_loop3A_352, %parallel_loop3A_366 : vector<16xi32>
        %parallel_loop3A_368 = vector.bitcast %parallel_loop3A_367 : vector<16xi32> to vector<16xf32>
        %parallel_loop3A_369 = arith.mulf %parallel_loop3A_368, %parallel_loop3A_350 : vector<16xf32>
        %parallel_loop3A_370 = arith.addf %parallel_loop3A_369, %parallel_loop3A_364 : vector<16xf32>
        %parallel_loop3A_371 = arith.mulf %parallel_loop3A_370, %parallel_loop3A_350 : vector<16xf32>
        %parallel_loop3A_372 = arith.addf %parallel_loop3A_371, %parallel_loop3A_360 : vector<16xf32>
        %parallel_loop3A_373 = arith.mulf %parallel_loop3A_372, %parallel_loop3A_350 : vector<16xf32>
        %parallel_loop3A_374 = arith.addf %parallel_loop3A_373, %parallel_loop3A_356 : vector<16xf32>
        %parallel_loop3A_375 = arith.mulf %parallel_loop3A_343, %gather3A_250 : vector<16xf32>
        %parallel_loop3A_376 = arith.addf %parallel_loop3A_375, %parallel_loop3A_374 : vector<16xf32>
        %parallel_loop3A_377 = arith.index_cast %parallel_loop3A_335 : i32 to index
        %parallel_loop3A_378 = arith.index_cast %parallel_loop3A_340 : i32 to index
        %parallel_loop3A_379 = tpu.vector_load %arg10[%parallel_loop3A_377, %parallel_loop3A_378] {strides = array<i32>} : memref<48x384xf32, #tpu.memory_space<vmem>>, vector<16xf32>,
        tpu.vector_store %arg10[%parallel_loop3A_377, %parallel_loop3A_378], %parallel_loop3A_376 {strides = array<i32>} : memref<48x384xf32, #tpu.memory_space<vmem>>, vector<16xf32>,
      } {sc.loop_unroll_factor = 8 : i64, sc.parallel_access}
      %jit3A_254 = arith.constant 8 : i32
      %div3A_255 = arith.divsi %add3A_174, %jit3A_254 : i32
      %sign3A_256 = arith.constant 0 : i32
      %sign3A_257 = arith.cmpi sgt, %add3A_174, %sign3A_256 : i32
      %sign3A_258 = arith.extui %sign3A_257 : i1 to i32
      %sign3A_259 = arith.constant 0 : i32
      %sign3A_260 = arith.cmpi slt, %add3A_174, %sign3A_259 : i32
      %sign3A_261 = arith.extui %sign3A_260 : i1 to i32
      %sign3A_262 = arith.subi %sign3A_258, %sign3A_261 : i32
      %sign3A_263 = arith.constant 0 : i32
      %sign3A_264 = arith.cmpi sgt, %jit3A_254, %sign3A_263 : i32
      %sign3A_265 = arith.extui %sign3A_264 : i1 to i32
      %sign3A_266 = arith.constant 0 : i32
      %sign3A_267 = arith.cmpi slt, %jit3A_254, %sign3A_266 : i32
      %sign3A_268 = arith.extui %sign3A_267 : i1 to i32
      %sign3A_269 = arith.subi %sign3A_265, %sign3A_268 : i32
      %ne3A_270 = arith.cmpi ne, %sign3A_262, %sign3A_269 : i32
      %rem3A_271 = arith.remsi %add3A_174, %jit3A_254 : i32
      %ne3A_272 = arith.constant 0 : i32
      %ne3A_273 = arith.cmpi ne, %rem3A_271, %ne3A_272 : i32
      %and3A_274 = arith.andi %ne3A_270, %ne3A_273 : i1
      %sub3A_275 = arith.constant 1 : i32
      %sub3A_276 = arith.subi %div3A_255, %sub3A_275 : i32
      %select_n3A_277 = arith.select %and3A_274, %sub3A_276, %div3A_255 : i32
      %add3A_278 = arith.addi %mul3A_2, %select_n3A_277 : i32
      %jit3A_279 = arith.constant 8 : i32
      %eq3A_280 = arith.constant 0 : i32
      %eq3A_281 = arith.cmpi eq, %jit3A_279, %eq3A_280 : i32
      %jit3A_282 = arith.constant 1 : i32
      %select_n3A_283 = arith.select %eq3A_281, %jit3A_282, %jit3A_279 : i32
      %rem3A_284 = arith.remsi %add3A_174, %select_n3A_283 : i32
      %ne3A_285 = arith.constant 0 : i32
      %ne3A_286 = arith.cmpi ne, %rem3A_284, %ne3A_285 : i32
      %lt3A_287 = arith.constant 0 : i32
      %lt3A_288 = arith.cmpi slt, %rem3A_284, %lt3A_287 : i32
      %lt3A_289 = arith.constant 0 : i32
      %lt3A_290 = arith.cmpi slt, %select_n3A_283, %lt3A_289 : i32
      %ne3A_291 = arith.xori %lt3A_288, %lt3A_290 : i1
      %and3A_292 = arith.andi %ne3A_291, %ne3A_286 : i1
      %add3A_293 = arith.addi %rem3A_284, %select_n3A_283 : i32
      %select_n3A_294 = arith.select %and3A_292, %add3A_293, %rem3A_284 : i32
      %mul3A_295 = arith.constant 48 : i32
      %mul3A_296 = arith.muli %select_n3A_294, %mul3A_295 : i32
      %dma_start3A_297 = arith.constant 0 : i32
      %dma_start3A_298 = arith.constant 0 : i32
      %dma_start3A_299 = tpu.memref_slice %arg6[%dma_start3A_297, %add3A_278, %mul3A_296, %dma_start3A_298] : memref<1x192x384x384xf32, #tpu.memory_space<hbm>> -> memref<1x1x48x384xf32, #tpu.memory_space<hbm>>
      %dma_start3A_300 = tpu.memref_squeeze %dma_start3A_299 : memref<1x1x48x384xf32, #tpu.memory_space<hbm>> -> memref<48x384xf32, #tpu.memory_space<hbm>>
      %dma_start3A_301 = arith.constant 0 : i32
      %dma_start3A_302 = tpu.memref_slice %arg6[%dma_start3A_297, %add3A_278, %mul3A_296, %dma_start3A_301] : memref<1x192x384x384xf32, #tpu.memory_space<hbm>> -> memref<1x1x48x384xf32, #tpu.memory_space<hbm>>
      %dma_start3A_303 = tpu.memref_squeeze %dma_start3A_302 : memref<1x1x48x384xf32, #tpu.memory_space<hbm>> -> memref<48x384xf32, #tpu.memory_space<hbm>>
      tpu.enqueue_dma source(%arg10 : memref<48x384xf32, #tpu.memory_space<vmem>>) target(%dma_start3A_303 : memref<48x384xf32, #tpu.memory_space<hbm>>) target_semaphore(%arg17 : memref<!tpu.dma_semaphore, #tpu.memory_space<semaphore_mem>>)
      %add3A_304 = arith.constant 2 : i32
      %add3A_305 = arith.addi %add3A_174, %add3A_304 : i32
      %lt3A_306 = arith.constant 48 : i32
      %lt3A_307 = arith.cmpi slt, %add3A_305, %lt3A_306 : i32
      %convert_element_type3A_308 = arith.extui %lt3A_307 : i1 to i32
      %cond3A_309 = arith.constant 0 : i32
      %cond3A_310 = arith.cmpi ne, %convert_element_type3A_308, %cond3A_309 : i32
      scf.if %cond3A_310 {
        %add3A_311 = arith.constant 2 : i32
        %add3A_312 = arith.addi %add3A_174, %add3A_311 : i32
        %jit3A_313 = arith.constant 8 : i32
        %div3A_314 = arith.divsi %add3A_312, %jit3A_313 : i32
        %sign3A_315 = arith.constant 0 : i32
        %sign3A_316 = arith.cmpi sgt, %add3A_312, %sign3A_315 : i32
        %sign3A_317 = arith.extui %sign3A_316 : i1 to i32
        %sign3A_318 = arith.constant 0 : i32
        %sign3A_319 = arith.cmpi slt, %add3A_312, %sign3A_318 : i32
        %sign3A_320 = arith.extui %sign3A_319 : i1 to i32
        %sign3A_321 = arith.subi %sign3A_317, %sign3A_320 : i32
        %sign3A_322 = arith.constant 0 : i32
        %sign3A_323 = arith.cmpi sgt, %jit3A_313, %sign3A_322 : i32
        %sign3A_324 = arith.extui %sign3A_323 : i1 to i32
        %sign3A_325 = arith.constant 0 : i32
        %sign3A_326 = arith.cmpi slt, %jit3A_313, %sign3A_325 : i32
        %sign3A_327 = arith.extui %sign3A_326 : i1 to i32
        %sign3A_328 = arith.subi %sign3A_324, %sign3A_327 : i32
        %ne3A_329 = arith.cmpi ne, %sign3A_321, %sign3A_328 : i32
        %rem3A_330 = arith.remsi %add3A_312, %jit3A_313 : i32
        %ne3A_331 = arith.constant 0 : i32
        %ne3A_332 = arith.cmpi ne, %rem3A_330, %ne3A_331 : i32
        %and3A_333 = arith.andi %ne3A_329, %ne3A_332 : i1
        %sub3A_334 = arith.constant 1 : i32
        %sub3A_335 = arith.subi %div3A_314, %sub3A_334 : i32
        %select_n3A_336 = arith.select %and3A_333, %sub3A_335, %div3A_314 : i32
        %add3A_337 = arith.addi %mul3A_2, %select_n3A_336 : i32
        %jit3A_338 = arith.constant 8 : i32
        %eq3A_339 = arith.constant 0 : i32
        %eq3A_340 = arith.cmpi eq, %jit3A_338, %eq3A_339 : i32
        %jit3A_341 = arith.constant 1 : i32
        %select_n3A_342 = arith.select %eq3A_340, %jit3A_341, %jit3A_338 : i32
        %rem3A_343 = arith.remsi %add3A_312, %select_n3A_342 : i32
        %ne3A_344 = arith.constant 0 : i32
        %ne3A_345 = arith.cmpi ne, %rem3A_343, %ne3A_344 : i32
        %lt3A_346 = arith.constant 0 : i32
        %lt3A_347 = arith.cmpi slt, %rem3A_343, %lt3A_346 : i32
        %lt3A_348 = arith.constant 0 : i32
        %lt3A_349 = arith.cmpi slt, %select_n3A_342, %lt3A_348 : i32
        %ne3A_350 = arith.xori %lt3A_347, %lt3A_349 : i1
        %and3A_351 = arith.andi %ne3A_350, %ne3A_345 : i1
        %add3A_352 = arith.addi %rem3A_343, %select_n3A_342 : i32
        %select_n3A_353 = arith.select %and3A_351, %add3A_352, %rem3A_343 : i32
        %mul3A_354 = arith.constant 48 : i32
        %mul3A_355 = arith.muli %select_n3A_353, %mul3A_354 : i32
        %dma_start3A_356 = arith.constant 0 : i32
        %dma_start3A_357 = arith.constant 0 : i32
        %dma_start3A_358 = tpu.memref_slice %arg2[%dma_start3A_356, %add3A_337, %mul3A_355, %dma_start3A_357] : memref<1x192x384x384xf32, #tpu.memory_space<hbm>> -> memref<1x1x48x384xf32, #tpu.memory_space<hbm>>
        %dma_start3A_359 = tpu.memref_squeeze %dma_start3A_358 : memref<1x1x48x384xf32, #tpu.memory_space<hbm>> -> memref<48x384xf32, #tpu.memory_space<hbm>>
        %dma_start3A_360 = arith.constant 0 : i32
        %dma_start3A_361 = tpu.memref_slice %arg2[%dma_start3A_356, %add3A_337, %mul3A_355, %dma_start3A_360] : memref<1x192x384x384xf32, #tpu.memory_space<hbm>> -> memref<1x1x48x384xf32, #tpu.memory_space<hbm>>
        %dma_start3A_362 = tpu.memref_squeeze %dma_start3A_361 : memref<1x1x48x384xf32, #tpu.memory_space<hbm>> -> memref<48x384xf32, #tpu.memory_space<hbm>>
        tpu.enqueue_dma source(%dma_start3A_362 : memref<48x384xf32, #tpu.memory_space<hbm>>) target(%arg8 : memref<48x384xf32, #tpu.memory_space<vmem>>) target_semaphore(%arg15 : memref<!tpu.dma_semaphore, #tpu.memory_space<semaphore_mem>>)
      } else {
      }
    }
    %scan3A_28 = arith.constant 24 : i32
    %dma_wait3A = arith.constant 0 : i32
    %dma_wait3A_29 = arith.constant 0 : i32
    %dma_wait3A_30 = arith.constant 0 : i32
    %dma_wait3A_31 = arith.constant 0 : i32
    %dma_wait3A_32 = tpu.memref_slice %arg6[%dma_wait3A, %dma_wait3A_29, %dma_wait3A_30, %dma_wait3A_31] : memref<1x192x384x384xf32, #tpu.memory_space<hbm>> -> memref<1x1x48x384xf32, #tpu.memory_space<hbm>>
    %dma_wait3A_33 = tpu.memref_squeeze %dma_wait3A_32 : memref<1x1x48x384xf32, #tpu.memory_space<hbm>> -> memref<48x384xf32, #tpu.memory_space<hbm>>
    %dma_wait3A_34 = arith.constant 0 : i32
    %dma_wait3A_35 = arith.constant 0 : i32
    %dma_wait3A_36 = tpu.memref_slice %arg6[%dma_wait3A, %dma_wait3A_29, %dma_wait3A_34, %dma_wait3A_35] : memref<1x192x384x384xf32, #tpu.memory_space<hbm>> -> memref<1x1x48x384xf32, #tpu.memory_space<hbm>>
    %dma_wait3A_37 = tpu.memref_squeeze %dma_wait3A_36 : memref<1x1x48x384xf32, #tpu.memory_space<hbm>> -> memref<48x384xf32, #tpu.memory_space<hbm>>
    tpu.wait_dma2 semaphore(%arg16 : memref<!tpu.dma_semaphore, #tpu.memory_space<semaphore_mem>>) src(%arg9 : memref<48x384xf32, #tpu.memory_space<vmem>>) dst(%dma_wait3A_37 : memref<48x384xf32, #tpu.memory_space<hbm>>)
    %dma_wait3A_38 = arith.constant 0 : i32
    %dma_wait3A_39 = arith.constant 0 : i32
    %dma_wait3A_40 = arith.constant 0 : i32
    %dma_wait3A_41 = arith.constant 0 : i32
    %dma_wait3A_42 = tpu.memref_slice %arg6[%dma_wait3A_38, %dma_wait3A_39, %dma_wait3A_40, %dma_wait3A_41] : memref<1x192x384x384xf32, #tpu.memory_space<hbm>> -> memref<1x1x48x384xf32, #tpu.memory_space<hbm>>
    %dma_wait3A_43 = tpu.memref_squeeze %dma_wait3A_42 : memref<1x1x48x384xf32, #tpu.memory_space<hbm>> -> memref<48x384xf32, #tpu.memory_space<hbm>>
    %dma_wait3A_44 = arith.constant 0 : i32
    %dma_wait3A_45 = arith.constant 0 : i32
    %dma_wait3A_46 = tpu.memref_slice %arg6[%dma_wait3A_38, %dma_wait3A_39, %dma_wait3A_44, %dma_wait3A_45] : memref<1x192x384x384xf32, #tpu.memory_space<hbm>> -> memref<1x1x48x384xf32, #tpu.memory_space<hbm>>
    %dma_wait3A_47 = tpu.memref_squeeze %dma_wait3A_46 : memref<1x1x48x384xf32, #tpu.memory_space<hbm>> -> memref<48x384xf32, #tpu.memory_space<hbm>>
    tpu.wait_dma2 semaphore(%arg17 : memref<!tpu.dma_semaphore, #tpu.memory_space<semaphore_mem>>) src(%arg10 : memref<48x384xf32, #tpu.memory_space<vmem>>) dst(%dma_wait3A_47 : memref<48x384xf32, #tpu.memory_space<hbm>>)
    return
  }
}

</mosaic_0001>

<sc_bundles>
// kernel: kernel.3.cloned.1.call-start
scs
__scs_entry_jumppad:
0x0: {  	(pc) =	sbr.rel $0x88, $3  }
0x1: {  	(tag) =	ssettag $0x0;
	lr =	simm.s32 $0x1  }
0x2: {  	[smem:$0x3F9B] =	sst lr;
	_ =	strace $0xD0000000  }
0x3: {  	_ = 	snop  }
0x4: {  	_ = 	snop  }
0x5: {  	_ = 	snop  }
0x6: {  	_ = 	snop  }
0x7: {  	_ = 	snop  }
__scs_overlays_trampoline_lowered:
0x8: {  	[smem:$0x3FAA] =	sst s0  }
0x9: {  	[smem:$0x3FAB] =	sst s1  }
0xa: {  	[smem:$0x3FAC] =	sst s2  }
0xb: {  	[smem:$0x3FAD] =	sst s3  }
0xc: {  	[smem:$0x3FAE] =	sst s4  }
0xd: {  	[smem:$0x3FAF] =	sst s5  }
0xe: {  	[smem:$0x3FB0] =	sst s6  }
0xf: {  	[smem:$0x3FB1] =	sst s7  }
0x10: {  	[smem:$0x3FB2] =	sst s8  }
0x11: {  	[smem:$0x3FB3] =	sst s9;
	s0 =	simm.s32 @!p0 $0x0  }
0x12: {  	s1 =	sld [smem:$0x3F99];
	s0 =	simm.s32 @p0 $0x1  }
0x13: {  	[smem:$0x3FB4] =	sst s0;
	s0 =	simm.s32 @!p1 $0x0  }
0x14: {  	s2 =	sld [smem:$0x3F98];
	s0 =	simm.s32 @p1 $0x1  }
0x15: {  	[smem:$0x3FB5] =	sst s0;
	s0 =	simm.s32 @!p2 $0x0  }
0x16: {  	s3 =	sld [smem:$0x3FDB];
	s0 =	simm.s32 @p2 $0x1  }
0x17: {  	s4 =	simm.s32 $0x1BF5;
	[smem:$0x3FB7] =	sst s0  }
0x18: {  	s0 =	sld [smem:$0x3F9A];
	_ =	swait.ge [sflag:s4], $0x0  }
0x19: {  	s7 =	sld [smem:$0x3F9B]  }
0x1a: {  	s8 =	sadd.s32 $0xFFFFE003, lr  }
0x1b: {  	s9 =	sadd.s32 $0xFFFFFEF7, lr;
	s5 =	simm.s32 $0xFFFFFFFF;
	p2 =	slt.u32 s8, $0xFFFFF086  }
0x1c: {  	p1 =	slt.u32 s9, $0xF7A;
	s5 =	simm.s32 @!p2 $0x0  }
0x1d: {  	s5 =	simm.s32 @p1 $0x1;
	p0 =	seq.s32 s7, s2  }
0x1e: {  	s7 =	smul.u32 @!p0 $0xF7A, s2;
	p2 =	seq.s32 @!p0 s5, $0x0  }
0x1f: {  	s9 =	smul.u32 $0xF7A, s1;
	s8 =	simm.s32 @!p0 $0x1BF5;
	p2 =	por !p2, p0  }
0x20: {  	[sflag:s8] =	ssyncset.s32 @!p0 $0xFFFFF086;
	s6 =	sadd.s32 @!p0 s3, s7;
	s7 =	simm.s32 @!p0 $0x108  }
0x21: {  	s3 =	sadd.s32 s3, s9;
	s6 =	sadd.s32 @!p0 $0x88, s6;
	s7 =	simm.s32 @p2 $0x1082  }
0x22: {  	[simem:s7], [sflag:s8] =	dma.local @!p0 [hbm:s6], $0xF7A  }
0x23: {  	s9 =	sor.u32 $0xD0000000, s2;
	s6 =	simm.s32 $0x108;
	_ =	swait.ge @!p0 [sflag:s8], $0x0  }
0x24: {  	s3 =	sadd.s32 $0x88, s3;
	s6 =	simm.s32 @!p1 $0x1082;
	[sflag:s4] =	ssyncset.s32 $0xFFFFF086  }
0x25: {  	[simem:s6], [sflag:s4] =	dma.local [hbm:s3], $0xF7A  }
0x26: {  	[smem:$0x3F9B] =	sst s1;
	(tag) =	ssettag s2;
	_ =	strace s9  }
0x27: {  	s1 =	sld [smem:$0x3FAB]  }
0x28: {  	s2 =	sld [smem:$0x3FAC]  }
0x29: {  	s4 =	sld [smem:$0x3FAE]  }
0x2a: {  	p0 =	seq.s32 s5, $0x0;
	s5 =	sld [smem:$0x3FAF]  }
0x2b: {  	s6 =	sld [smem:$0x3FB0]  }
0x2c: {  	s7 =	sld [smem:$0x3FB1]  }
0x2d: {  	s3 =	simm.s32 $0x108;
	s8 =	sld [smem:$0x3FB2]  }
0x2e: {  	s3 =	simm.s32 @!p0 $0x1082;
	s9 =	sld [smem:$0x3FB3]  }
0x2f: {  	lr =	sadd.s32 s0, s3;
	s0 =	sld [smem:$0x3FAA]  }
0x30: {  	s3 =	sld [smem:$0x3FAD]  }
0x31: {  	[smem:$0x3FB6] =	sst s10  }
0x32: {  	s10 =	sld [smem:$0x3FB4];
	_ =	sdelay $0x3  }
0x33: {  	p0 =	seq.s32 s10, $0x1;
	s10 =	sld [smem:$0x3FB6];
	_ =	sdelay $0x3  }
0x34: {  	[smem:$0x3FB6] =	sst s10  }
0x35: {  	s10 =	sld [smem:$0x3FB5];
	_ =	sdelay $0x3  }
0x36: {  	p1 =	seq.s32 s10, $0x1;
	s10 =	sld [smem:$0x3FB6];
	_ =	sdelay $0x3  }
0x37: {  	[smem:$0x3FB6] =	sst s10  }
0x38: {  	s10 =	sld [smem:$0x3FB7]  }
0x39: {  	_ = 	snop;
	(pc) =	sbr.ind lr, $3  }
0x3a: {  	_ = 	snop  }
0x3b: {  	_ = 	snop  }
0x3c: {  	p2 =	seq.s32 s10, $0x1;
	s10 =	sld [smem:$0x3FB6]  }
0x3d: {  	_ =	shalt  }
0x3e: {  	_ =	shalt  }
0x3f: {  	_ =	shalt  }
0x40: {  	_ =	shalt  }
0x41: {  	_ =	shalt  }
0x42: {  	_ =	shalt  }
0x43: {  	_ =	shalt  }
0x44: {  	_ =	shalt  }
0x45: {  	_ =	shalt  }
0x46: {  	_ =	shalt  }
0x47: {  	_ =	shalt  }
0x48: {  	_ =	shalt  }
0x49: {  	_ =	shalt  }
0x4a: {  	_ =	shalt  }
0x4b: {  	_ =	shalt  }
0x4c: {  	_ =	shalt  }
0x4d: {  	_ =	shalt  }
0x4e: {  	_ =	shalt  }
0x4f: {  	_ =	shalt  }
0x50: {  	_ =	shalt  }
0x51: {  	_ =	shalt  }
0x52: {  	_ =	shalt  }
0x53: {  	_ =	shalt  }
0x54: {  	_ =	shalt  }
0x55: {  	_ =	shalt  }
0x56: {  	_ =	shalt  }
0x57: {  	_ =	shalt  }
0x58: {  	_ =	shalt  }
0x59: {  	_ =	shalt  }
0x5a: {  	_ =	shalt  }
0x5b: {  	_ =	shalt  }
0x5c: {  	_ =	shalt  }
0x5d: {  	_ =	shalt  }
0x5e: {  	_ =	shalt  }
0x5f: {  	_ =	shalt  }
0x60: {  	_ =	shalt  }
0x61: {  	_ =	shalt  }
0x62: {  	_ =	shalt  }
0x63: {  	_ =	shalt  }
0x64: {  	_ =	shalt  }
0x65: {  	_ =	shalt  }
0x66: {  	_ =	shalt  }
0x67: {  	_ =	shalt  }
0x68: {  	_ =	shalt  }
0x69: {  	_ =	shalt  }
0x6a: {  	_ =	shalt  }
0x6b: {  	_ =	shalt  }
0x6c: {  	_ =	shalt  }
0x6d: {  	_ =	shalt  }
0x6e: {  	_ =	shalt  }
0x6f: {  	_ =	shalt  }
0x70: {  	_ =	shalt  }
0x71: {  	_ =	shalt  }
0x72: {  	_ =	shalt  }
0x73: {  	_ =	shalt  }
0x74: {  	_ =	shalt  }
0x75: {  	_ =	shalt  }
0x76: {  	_ =	shalt  }
0x77: {  	_ =	shalt  }
0x78: {  	_ =	shalt  }
0x79: {  	_ =	shalt  }
0x7a: {  	_ =	shalt  }
0x7b: {  	_ =	shalt  }
0x7c: {  	_ =	shalt  }
0x7d: {  	_ =	shalt  }
0x7e: {  	_ =	shalt  }
0x7f: {  	_ =	shalt  }
0x80: {  	_ =	shalt  }
0x81: {  	_ =	shalt  }
0x82: {  	_ =	shalt  }
0x83: {  	_ =	shalt  }
0x84: {  	_ =	shalt  }
0x85: {  	_ =	shalt  }
0x86: {  	_ =	shalt  }
0x87: {  	_ =	shalt  }
.Lfunc_end0:
.L_simem_size_0:
called_computation_lowered:
.L_overlay_start_0:
0x88: {  	s2 =	sld [smem:$0x3FD9]  }
0x89: {  	s3 =	sld [smem:$0x3FFE];
	_ =	sdelay $0x1  }
0x8a: {  	s1 =	srdreg.scid  }
0x8b: {  	s0 =	sand.u32 $0x1, s1  }
0x8c: {  	s17 =	sshll.u32 s0, $0xA;
	s2 =	sadd.s32 s3, s2  }
0x8d: {  	s2 =	sadd.s32 s2, s17  }
0x8e: {  	[smem:$0x3FC2] =	sst s2  }
0x8f: {  	_ = 	snop  }
0x90: {  	s2 =	sld [smem:$0x3FC9]  }
0x91: {  	s18 =	sld [smem:$0x3FD0];
	(tm) =	ssettm $0x1  }
0x92: {  	s4 =	sld [smem:$0x3FFB];
	_ =	sdelay $0x3  }
0x93: {  	_ =	strace s4  }
0x94: {  	s4 =	sld [smem:$0x3FFC];
	_ =	sdelay $0x3  }
0x95: {  	_ =	strace s4  }
0x96: {  	s4 =	sld [smem:$0x3FFD];
	_ =	sdelay $0x3  }
0x97: {  	_ =	strace s4  }
0x98: {  	_ =	strace $0x8FFFFFFF  }
0x99: {  	s19 =	sld [smem:$0x3FDB];
	_ =	sdelay $0x1  }
0x9a: {  	s5 =	simm.s32 $_scs_section_size  }
0x9b: {  	s6 =	simm.s32 $_size__tile_overlayer_lowered;
	s7 =	simm.s32 $_tile_overlayer_lowered  }
0x9c: {  	s22 =	simm.s32 $0x1BFF;
	s21 =	sshll.u32 s7, $0x1;
	s4 =	sadd.s32 s5, s19  }
0x9d: {  	s8 =	simm.s32 $0x0;
	s20 =	sshll.u32 s6, $0x1;
	s6 =	sadd.s32 s21, s4  }
0x9e: {  	[timem:s8], [sflag:s22] =	dma.local [hbm:s6], s20  }
0x9f: {  	_ =	swait.ge [sflag:s22], s20  }
0xa0: {  	s5 =	ssub.s32 $0x0, s20;
	[sflag:s22] =	ssyncset.done $0x0  }
0xa1: {  	[sflag:s22] =	ssyncadd.s32 s5;
	_ =	sdelay $0x1  }
0xa2: {  	s23 =	simm.s32 $0x1B8B  }
0xa3: {  	_ =	swait.ge [sflag:s23], $0x1  }
0xa4: {  	[sflag:s23] =	ssyncset.done $0x0  }
0xa5: {  	s25 =	simm.s32 $0x1B8E;
	s24 =	sld [smem:$0x3FFE];
	[sflag:s23] =	ssyncadd.s32 $0xFFFFFFFF  }
0xa6: {  	s26 =	simm.s32 $execute0_lowered;
	[smem:$0x3FD2] =	sst s25  }
0xa7: {  	s6 =	sshll.u32 s26, $0x1;
	_ =	strace $0x80000046;
	[dreg:$0x1] =	wrdreg $0xFFFFFFFF  }
0xa8: {  	s28 =	simm.s32 $_size_execute0_lowered;
	s4 =	sadd.s32 s4, s6;
	[dreg:$0x0] =	wrdreg $0x0  }
0xa9: {  	s6 =	sshll.u32 s28, $0x1;
	[dreg:$0x2] =	wrdreg s4  }
0xaa: {  	[dreg:$0x3] =	wrdreg s6  }
0xab: {  	[dreg:$0x4] =	wrdreg $0xC0  }
0xac: {  	_ =	task [dreg:s8], $0x5FFFF  }
0xad: {  	[dreg:$0x1] =	wrdreg $0xFFFFFFFF  }
0xae: {  	[dreg:$0x0] =	wrdreg $0x60  }
0xaf: {  	[dreg:$0x2] =	wrdreg s2  }
0xb0: {  	[dreg:$0x3] =	wrdreg s24  }
0xb1: {  	[dreg:$0x4] =	wrdreg s18  }
0xb2: {  	[dreg:$0x5] =	wrdreg $0x9  }
0xb3: {  	_ =	task.clear_ibuf [dreg:s8], $0x6FFFF;
	_ =	strace $0x90000046  }
0xb4: {  	s29 =	simm.s32 $0x9;
	_ =	strace $0x80000048  }
0xb5: {  	_ =	swait.ge [sflag:s29], $0x1  }
0xb6: {  	[sflag:s29] =	ssyncadd.s32 $0xFFFFFFFF  }
0xb7: {  	_ =	strace $0x90000048  }
0xb8: {  	_ =	sfence  }
0xb9: {  	s30 =	sld [smem:$0x0];
	_ =	sdelay $0x2  }
0xba: {  	s31 =	sshll.u32 s1, $0xD;
	s1 =	sshrl.u32 s1, $0x2  }
0xbb: {  	s3 =	sand.u32 $0x4000, s31;
	s1 =	sadd.s32 s1, s30  }
0xbc: {  	s0 =	sor.u32 s3, s0;
	s1 =	sshll.u32 s1, $0x11  }
0xbd: {  	s0 =	sor.u32 s1, s0  }
0xbe: {  	s0 =	sadd.s32 $0x8F2B, s0  }
0xbf: {  	[sflag:s0] =	ssyncadd.remote.s32 $0x1  }
0xc0: {  	_ =	sfence.sel $0xFFFF  }
0xc1: {  	[dreg:$0x0] =	wrdreg $0xFFFFFFFF;
	(pc) =	sbr.abs _section_cstart, $3  }
0xc2: {  	[dreg:$0x1] =	wrdreg $0xFFFFFFFF  }
0xc3: {  	_ =	task.clear_ibuf [dreg:s8], $0x2FFFF;
	_ =	strace $0x9FFFFFFF  }
0xc4: {  	(tm) =	ssettm $0x7FFFFFFF  }
0xc5: {  	_ =	shalt  }
tec
execute0_lowered:
.L_overlay_start_1:
0x0: {  	(tag) =	ssettag $0x1  }
0x1: {  	s1 =	rddreg [dreg:$0x0]  }
0x2: {  	s0 =	rddreg [dreg:$0x1]  }
0x3: {  	s3 =	rddreg [dreg:$0x2]  }
0x4: {  	s5 =	srdreg.scid;
	s2 =	stileid.u32;
	s4 =	simm.s32 $0x0  }
0x5: {  	s12 =	simm.s32 $0x4800;
	s13 =	simm.s32 $0x12000;
	s14 =	simm.s32 $0x5  }
0x6: {  	s15 =	simm.s32 $0x14400;
	s16 =	simm.s32 $0x16800;
	s17 =	simm.s32 $0x1  }
0x7: {  	s18 =	simm.s32 $0x9000;
	s19 =	simm.s32 $0x2;
	s20 =	simm.s32 $0x4  }
0x8: {  	s21 =	simm.s32 $0xD800;
	s22 =	simm.s32 $0x3;
	s23 =	simm.s32 $0x0  }
0x9: {  	s5 =	sand.u32 $0x1, s5;
	s6 =	sshll.u32 s2, $0x1;
	[smem:$0x7FF] =	sst s4  }
.Ltmp0:
0xa: {  	s30 =	sadd.s32 $0x1400, s0;
	s9 =	sor.u32 s5, s6;
	(pc) =	sbr.rel .LBB2_1-.Ltmp0, $4  }
0xb: {  	s7 =	sadd.s32 $0xC00, s0;
	s8 =	ssub.s32 $0x2, s5;
	s10 =	smul.u32 $0x1B000, s9  }
0xc: {  	_ =	strace $0x80000047;
	[dreg:$0x4] =	wrdreg s30;
	s11 =	sshrl.u32 s8, $0x1  }
0xd: {  	s6 =	sadd.s32 $0xE00, s0;
	s31 =	ssub.s32 s8, s11;
	s8 =	sadd.s32 s1, s10  }
0xe: {  	s9 =	smul.u32 $0x6, s9;
	s11 =	smax.u32 s31, $0x1;
	s10 =	sadd.s32 $0x900, s8  }
.LBB2_12:
0xf: {  	s23 =	sadd.s32 $0x1, s23  }
0x10: {  	_ =	swait.ge [sflag:s22], $0x4800;
	p0 =	sne.s32 s23, s11  }
.Ltmp1:
0x11: {  	[sflag:s22] =	ssyncset.done $0x0;
	(pc) =	sbr.rel @!p0 .LBB2_13-.Ltmp1, $4  }
0x12: {  	[sflag:s22] =	ssyncadd.s32 $0xFFFFB800  }
0x13: {  	_ =	swait.ge [sflag:s20], $0x4800  }
0x14: {  	[sflag:s20] =	ssyncset.done $0x0  }
0x15: {  	[sflag:s20] =	ssyncadd.s32 $0xFFFFB800  }
.LBB2_1:
0x16: {  	[tilespmem:s4], [sflag:$0x1] =	stream.linear.gather [hbm4b:s8+s4], $0x4800, $0x38;
	[tilespmem:$0x16C00] =	vst v63  }
0x17: {  	_ = 	snop  }
0x18: {  	[tilespmem:s12], [sflag:$0x2] =	stream.linear.gather [hbm4b:s10+s4], $0x4800, $0x38;
	[tilespmem:$0x16C00] =	vst v63  }
0x19: {  	s0 =	rddreg [dreg:$0x4]  }
0x1a: {  	[tilespmem:s13], [sflag:$0x5] =	stream.linear.gather [hbm4b:s0+s4], $0x2400, $0x38;
	[tilespmem:$0x16C00] =	vst v63  }
0x1b: {  	_ =	swait.ge [sflag:s14], $0x2400  }
0x1c: {  	[sflag:s14] =	ssyncset.done $0x0  }
0x1d: {  	[sflag:s14] =	ssyncadd.s32 $0xFFFFDC00  }
0x1e: {  	[tilespmem:s15], [sflag:$0x5] =	stream.linear.gather [hbm4b:s6+s4], $0x2400, $0x38;
	[tilespmem:$0x16C00] =	vst v63  }
0x1f: {  	_ =	swait.ge [sflag:s14], $0x2400  }
0x20: {  	[sflag:s14] =	ssyncset.done $0x0  }
0x21: {  	[sflag:s14] =	ssyncadd.s32 $0xFFFFDC00  }
0x22: {  	[tilespmem:s16], [sflag:$0x5] =	stream.linear.gather [hbm4b:s7+s4], $0x400, $0x38;
	[tilespmem:$0x16C00] =	vst v63  }
0x23: {  	_ =	swait.ge [sflag:s14], $0x400  }
0x24: {  	[sflag:s14] =	ssyncset.done $0x0  }
0x25: {  	s24 =	simm.s32 $0x0;
	[sflag:s14] =	ssyncadd.s32 $0xFFFFFC00  }
.LBB2_2:
0x26: {  	s0 =	sshrl.u32 s24, $0x2;
	_ =	swait.ge [sflag:s17], $0x4800;
	p0 =	seq.s32 s24, $0x0  }
0x27: {  	s29 =	simm.s32 $0x0;
	s26 =	sadd.s32 s9, s0;
	[sflag:s17] =	ssyncset.done $0x0  }
0x28: {  	s0 =	simm.s32 @!p0 $0x3;
	s25 =	smulhi.u32 $0xAAAAAAAB, s29;
	v0 =	vmov s26;
	[sflag:s17] =	ssyncadd.s32 $0xFFFFB800  }
0x29: {  	v3 =	vadd.s32 $0xC0, v0;
	_ =	swait.ge @!p0 [sflag:s0], $0x4800  }
0x2a: {  	v2 =	vadd.s32 $0x300, v0;
	s5 =	sshrl.u32 s25, $0x7;
	[sflag:s0] =	ssyncset.done @!p0 $0x0  }
0x2b: {  	[sflag:s0] =	ssyncadd.s32 @!p0 $0xFFFFB800;
	s0 =	smul.u32 $0xC00, s5  }
0x2c: {  	s28 =	sshrl.u32 s25, $0x4;
	s25 =	sshll.u32 s25, $0x3  }
0x2d: {  	s25 =	sand.u32 $0x380, s25;
	s28 =	smul.u32 $0xC00, s28;
	v10 =	vld.idx.msk [tilespmem:v0+s16+$0x0], $0xffff;
	s0 =	sadd.s32 $0x0, s0  }
0x2e: {  	v11 =	vld.idx.msk [tilespmem:v3+s16+$0x0], $0xffff;
	s0 =	sadd.s32 s25, s0  }
0x2f: {  	v5 =	vld.idx.msk [tilespmem:v2+s16+$0x0], $0xffff;
	s28 =	ssub.s32 s0, s28  }
0x30: {  	v24 =	vld [tilespmem:s28+$0x70]  }
0x31: {  	v6 =	vld [tilespmem:s28+$0x0]  }
0x32: {  	v8 =	vld [tilespmem:s28+$0x10]  }
0x33: {  	v1 =	vadd.s32 $0x240, v0;
	v14 =	vld [tilespmem:s28+$0x20]  }
0x34: {  	v4 =	vadd.s32 $0x180, v0;
	v15 =	vld [tilespmem:s28+$0x30]  }
0x35: {  	v22 =	vld [tilespmem:s28+$0x40]  }
0x36: {  	v25 =	vld [tilespmem:s28+$0x50]  }
0x37: {  	v9 =	vmul.f32 v24, v10;
	v16 =	vmul.f32 v6, v10  }
0x38: {  	v13 =	vld.idx.msk [tilespmem:v1+s16+$0x0], $0xffff;
	v7 =	vmul.f32 v6, v5;
	v17 =	vmul.f32 v8, v10  }
0x39: {  	v12 =	vld.idx.msk [tilespmem:v4+s16+$0x0], $0xffff;
	v8 =	vmul.f32 v8, v5;
	v19 =	vmul.f32 v14, v10  }
0x3a: {  	v6 =	vmul.f32 v14, v5;
	v14 =	vmul.f32 v15, v10  }
0x3b: {  	v20 =	vmul.f32 v22, v10;
	v23 =	vmul.f32 v25, v10;
	v18 =	vadd.f32 v9, v11  }
0x3c: {  	v24 =	vmul.f32 v24, v5;
	v16 =	vadd.f32 v16, v11;
	v17 =	vadd.f32 v17, v11  }
0x3d: {  	v19 =	vadd.f32 v19, v11;
	v14 =	vadd.f32 v14, v11;
	v18 =	vmin.f32 v18, v13  }
0x3e: {  	v9 =	vld [tilespmem:s28+$0x60];
	v20 =	vadd.f32 v20, v11;
	v23 =	vadd.f32 v23, v11;
	v18 =	vmax.f32 v18, v12  }
0x3f: {  	v16 =	vmin.f32 v16, v13;
	v17 =	vmin.f32 v17, v13;
	v21 =	vtrunc.f32 v18  }
0x40: {  	v19 =	vmin.f32 v19, v13;
	v14 =	vmin.f32 v14, v13;
	v21 =	vcvt.f32.s32 v21  }
0x41: {  	v20 =	vmin.f32 v20, v13;
	v23 =	vmin.f32 v23, v13;
	v14 =	vmax.f32 v14, v12  }
0x42: {  	v16 =	vmax.f32 v16, v12;
	v27 =	vmax.f32 v17, v12;
	v31 =	vtrunc.f32 v14  }
0x43: {  	v19 =	vmax.f32 v19, v12;
	v26 =	vmul.f32 v9, v10;
	v31 =	vcvt.f32.s32 v31  }
0x44: {  	v28 =	vmax.f32 v20, v12;
	v20 =	vtrunc.f32 v27;
	v30 =	vtrunc.f32 v19  }
0x45: {  	v32 =	vtrunc.f32 v28;
	v36 =	vcvt.f32.s32 v20;
	v26 =	vadd.f32 v26, v11  }
0x46: {  	v23 =	vmax.f32 v23, v12;
	v30 =	vcvt.f32.s32 v30;
	v32 =	vcvt.f32.s32 v32;
	v29 =	vld.idx.msk [tilespmem:v21+s15+$0x0], $0xffff  }
0x47: {  	v34 =	vcvt.s32.f32 v21;
	v17 =	vmin.f32 v26, v13;
	v26 =	vtrunc.f32 v16  }
0x48: {  	v33 =	vmax.f32 v17, v12;
	v17 =	vtrunc.f32 v23;
	v26 =	vcvt.f32.s32 v26  }
0x49: {  	v54 =	vcvt.s32.f32 v31;
	v37 =	vcvt.f32.s32 v17;
	v55 =	vld.idx.msk [tilespmem:v31+s15+$0x0], $0xffff  }
0x4a: {  	v40 =	vcvt.s32.f32 v32;
	v34 =	vsub.f32 v18, v34;
	v35 =	vtrunc.f32 v33  }
0x4b: {  	v38 =	vld.idx.msk [tilespmem:v21+s13+$0x0], $0xffff;
	v21 =	vcvt.s32.f32 v36;
	v39 =	vcvt.f32.s32 v35;
	v18 =	vand.u32 $0xFFFF0000, v29  }
0x4c: {  	v42 =	vcvt.s32.f32 v37;
	v17 =	vmul.f32 v18, v34  }
0x4d: {  	v43 =	vcvt.s32.f32 v39;
	v20 =	vshll.u32 v29, $0x10;
	v18 =	vcvt.s32.f32 v26  }
0x4e: {  	v29 =	vcvt.s32.f32 v30;
	v41 =	vld.idx.msk [tilespmem:v26+s15+$0x0], $0xffff;
	v61 =	vand.u32 $0xFFFF0000, v55;
	v20 =	vadd.f32 v20, v17  }
0x4f: {  	v35 =	vshll.u32 v55, $0x10;
	v56 =	vld.idx.msk [tilespmem:v37+s15+$0x0], $0xffff;
	v17 =	vsub.f32 v16, v18;
	v16 =	vmul.f32 v15, v5  }
0x50: {  	v18 =	vsub.f32 v27, v21;
	v27 =	vld.idx.msk [tilespmem:v36+s15+$0x0], $0xffff;
	v15 =	vmul.f32 v25, v5;
	v21 =	vmul.f32 v20, v34  }
0x51: {  	v44 =	vld.idx.msk [tilespmem:v30+s15+$0x0], $0xffff;
	v20 =	vsub.f32 v19, v29;
	v29 =	vand.u32 $0xFFFF0000, v38;
	v19 =	vsub.f32 v14, v54  }
0x52: {  	v14 =	vmul.f32 v22, v5;
	v22 =	vsub.f32 v23, v42;
	v23 =	vsub.f32 v33, v43  }
0x53: {  	v59 =	vld.idx.msk [tilespmem:v39+s15+$0x0], $0xffff;
	v57 =	vshll.u32 v41, $0x10;
	v38 =	vshll.u32 v38, $0x10;
	v29 =	vadd.f32 v29, v21  }
0x54: {  	v33 =	vshll.u32 v56, $0x10;
	v21 =	vsub.f32 v28, v40;
	v28 =	vld.idx.msk [tilespmem:v32+s15+$0x0], $0xffff;
	v43 =	vmul.f32 v61, v19  }
0x55: {  	v58 =	vand.u32 $0xFFFF0000, v27;
	v25 =	vmul.f32 v29, v34;
	v29 =	vand.u32 $0xFFFF0000, v41  }
0x56: {  	v40 =	vmul.f32 v58, v18;
	v41 =	vmul.f32 v29, v17;
	v29 =	vand.u32 $0xFFFF0000, v44  }
0x57: {  	v27 =	vshll.u32 v27, $0x10;
	v25 =	vadd.f32 v38, v25;
	v60 =	vmul.f32 v29, v20;
	v29 =	vld.idx.msk [tilespmem:v26+s13+$0x0], $0xffff  }
0x58: {  	v35 =	vadd.f32 v35, v43;
	v44 =	vshll.u32 v44, $0x10;
	v26 =	vld.idx.msk [tilespmem:v31+s13+$0x0], $0xffff;
	v40 =	vadd.f32 v27, v40  }
0x59: {  	v38 =	vshll.u32 v59, $0x10;
	v27 =	vld.idx.msk [tilespmem:v32+s13+$0x0], $0xffff;
	v45 =	vadd.f32 v25, v24;
	v24 =	vand.u32 $0xFFFF0000, v28  }
0x5a: {  	v34 =	vadd.f32 v57, v41;
	v25 =	vand.u32 $0xFFFF0000, v56;
	v46 =	vmul.f32 v24, v21;
	v24 =	vld.idx.msk [tilespmem:v36+s13+$0x0], $0xffff  }
0x5b: {  	v63 =	vshll.u32 v28, $0x10;
	v62 =	vmul.f32 v25, v22;
	v25 =	vld.idx.msk [tilespmem:v30+s13+$0x0], $0xffff;
	v30 =	vand.u32 $0xFFFF0000, v59  }
0x5c: {  	v42 =	vadd.f32 v44, v60;
	v28 =	vld.idx.msk [tilespmem:v37+s13+$0x0], $0xffff;
	v32 =	vmul.f32 v34, v17;
	v47 =	vmul.f32 v30, v23  }
0x5d: {  	v34 =	vmul.f32 v40, v18;
	v30 =	vld.idx.msk [tilespmem:v39+s13+$0x0], $0xffff;
	v31 =	vand.u32 $0xFFFF0000, v29;
	v37 =	vadd.f32 v63, v46  }
0x5e: {  	s30 =	simm.s32 $0x0;
	s31 =	simm.s32 $0x8;
	s25 =	sshll.u32 s24, $0x1;
	[tilespmem:s28+$0x9070] =	vst v45;
	v36 =	vadd.f32 v33, v62;
	v33 =	vmul.f32 v42, v20;
	v38 =	vadd.f32 v38, v47  }
.LBB2_3:
0x5f: {  	s0 =	smulhi.u32 $0xAAAAAAAB, s31;
	s30 =	sadd.s32 $0x8, s30;
	v39 =	vand.u32 $0xFFFF0000, v24;
	v35 =	vmul.f32 v35, v19;
	v37 =	vmul.f32 v37, v21  }
0x60: {  	v40 =	vand.u32 $0xFFFF0000, v25;
	v36 =	vmul.f32 v36, v22;
	p1 =	slt.u32 s30, $0x478;
	v38 =	vmul.f32 v38, v23  }
0x61: {  	v41 =	vand.u32 $0xFFFF0000, v26;
	v42 =	vand.u32 $0xFFFF0000, v27;
	v43 =	vand.u32 $0xFFFF0000, v28;
	s2 =	sshrl.u32 s0, $0x7  }
0x62: {  	v31 =	vadd.f32 v31, v32;
	v32 =	vadd.f32 v39, v34;
	v34 =	vand.u32 $0xFFFF0000, v30;
	s2 =	smul.u32 $0xC00, s2  }
0x63: {  	v29 =	vshll.u32 v29, $0x10;
	s29 =	sadd.s32 $0x400, s29;
	v33 =	vadd.f32 v40, v33;
	s5 =	sshrl.u32 s0, $0x4;
	s0 =	sshll.u32 s0, $0x3;
	v35 =	vadd.f32 v41, v35  }
0x64: {  	v17 =	vmul.f32 v31, v17;
	v31 =	vadd.f32 v42, v37;
	v36 =	vadd.f32 v43, v36;
	s0 =	sand.u32 $0x380, s0;
	s5 =	smul.u32 $0xC00, s5;
	s2 =	sadd.s32 s2, s29  }
0x65: {  	v18 =	vmul.f32 v32, v18;
	v20 =	vmul.f32 v33, v20;
	v32 =	vadd.f32 v34, v38;
	s0 =	sadd.s32 s0, s2  }
0x66: {  	v33 =	vshll.u32 v24, $0x10;
	v19 =	vmul.f32 v35, v19;
	v21 =	vmul.f32 v31, v21;
	s0 =	ssub.s32 s0, s5  }
0x67: {  	v25 =	vshll.u32 v25, $0x10;
	v22 =	vmul.f32 v36, v22;
	v23 =	vmul.f32 v32, v23;
	v24 =	vld [tilespmem:s0+$0x70]  }
0x68: {  	v26 =	vshll.u32 v26, $0x10;
	v27 =	vshll.u32 v27, $0x10;
	v28 =	vshll.u32 v28, $0x10;
	v31 =	vld [tilespmem:s0+$0x0]  }
0x69: {  	v17 =	vadd.f32 v29, v17;
	v29 =	vshll.u32 v30, $0x10;
	v18 =	vadd.f32 v33, v18;
	v32 =	vld [tilespmem:s0+$0x10]  }
0x6a: {  	v20 =	vadd.f32 v25, v20;
	v25 =	vmul.f32 v9, v5;
	v19 =	vadd.f32 v26, v19;
	v30 =	vld [tilespmem:s0+$0x20]  }
0x6b: {  	v21 =	vadd.f32 v27, v21;
	v22 =	vadd.f32 v28, v22;
	v26 =	vld [tilespmem:s0+$0x30]  }
0x6c: {  	v17 =	vadd.f32 v17, v7;
	v23 =	vadd.f32 v29, v23;
	v27 =	vld [tilespmem:s0+$0x40];
	v28 =	vmul.f32 v24, v10  }
0x6d: {  	v18 =	vadd.f32 v18, v8;
	v29 =	vmul.f32 v31, v10;
	v7 =	vmul.f32 v31, v5;
	v31 =	vld [tilespmem:s0+$0x50]  }
0x6e: {  	v33 =	vmul.f32 v32, v10;
	v8 =	vmul.f32 v32, v5;
	v9 =	vld [tilespmem:s0+$0x60];
	v28 =	vadd.f32 v28, v11;
	[tilespmem:s28+$0x9000] =	vst v17  }
0x6f: {  	v17 =	vadd.f32 v29, v11;
	v29 =	vmul.f32 v30, v10;
	v30 =	vmul.f32 v30, v5;
	[tilespmem:s28+$0x9010] =	vst v18  }
0x70: {  	v18 =	vadd.f32 v33, v11;
	v32 =	vmul.f32 v26, v10;
	v28 =	vmin.f32 v28, v13  }
0x71: {  	v29 =	vadd.f32 v29, v11;
	v33 =	vmul.f32 v27, v10;
	v28 =	vmax.f32 v28, v12  }
0x72: {  	v32 =	vadd.f32 v32, v11;
	v34 =	vmul.f32 v31, v10;
	v35 =	vtrunc.f32 v28  }
0x73: {  	v33 =	vadd.f32 v33, v11;
	v36 =	vmul.f32 v9, v10;
	v35 =	vcvt.f32.s32 v35  }
0x74: {  	v17 =	vmin.f32 v17, v13;
	v18 =	vmin.f32 v18, v13;
	v34 =	vadd.f32 v34, v11  }
0x75: {  	v29 =	vmin.f32 v29, v13;
	v32 =	vmin.f32 v32, v13;
	v36 =	vadd.f32 v36, v11  }
0x76: {  	v17 =	vmax.f32 v17, v12;
	v33 =	vmin.f32 v33, v13;
	v34 =	vmin.f32 v34, v13  }
0x77: {  	v18 =	vmax.f32 v18, v12;
	v29 =	vmax.f32 v29, v12;
	v36 =	vmin.f32 v36, v13  }
0x78: {  	v32 =	vmax.f32 v32, v12;
	v33 =	vmax.f32 v33, v12;
	v34 =	vmax.f32 v34, v12  }
0x79: {  	v37 =	vtrunc.f32 v17;
	v38 =	vtrunc.f32 v18;
	v36 =	vmax.f32 v36, v12;
	v39 =	vld.idx.msk [tilespmem:v35+s15+$0x0], $0xffff  }
0x7a: {  	v20 =	vadd.f32 v20, v6;
	v6 =	vmovc v30;
	v40 =	vtrunc.f32 v29;
	v41 =	vtrunc.f32 v32  }
0x7b: {  	v16 =	vadd.f32 v19, v16;
	v30 =	vtrunc.f32 v33;
	v42 =	vtrunc.f32 v34  }
0x7c: {  	v14 =	vadd.f32 v21, v14;
	v43 =	vcvt.s32.f32 v35;
	v19 =	vtrunc.f32 v36;
	[tilespmem:s28+$0x9020] =	vst v20  }
0x7d: {  	v15 =	vadd.f32 v22, v15;
	v37 =	vcvt.f32.s32 v37;
	v38 =	vcvt.f32.s32 v38;
	[tilespmem:s28+$0x9030] =	vst v16  }
0x7e: {  	v40 =	vcvt.f32.s32 v40;
	v41 =	vcvt.f32.s32 v41;
	v28 =	vsub.f32 v28, v43;
	[tilespmem:s28+$0x9040] =	vst v14  }
0x7f: {  	v30 =	vcvt.f32.s32 v30;
	v42 =	vcvt.f32.s32 v42;
	v14 =	vand.u32 $0xFFFF0000, v39;
	v35 =	vld.idx.msk [tilespmem:v35+s13+$0x0], $0xffff;
	[tilespmem:s28+$0x9050] =	vst v15  }
0x80: {  	v43 =	vcvt.f32.s32 v19;
	v14 =	vmul.f32 v14, v28;
	v15 =	vadd.f32 v23, v25  }
0x81: {  	v19 =	vcvt.s32.f32 v38;
	v16 =	vcvt.s32.f32 v37;
	v20 =	vshll.u32 v39, $0x10  }
0x82: {  	v21 =	vcvt.s32.f32 v40;
	v22 =	vcvt.s32.f32 v41;
	v14 =	vadd.f32 v20, v14;
	[tilespmem:s28+$0x9060] =	vst v15;
	s28 =	smov.u32 s0  }
0x83: {  	v17 =	vsub.f32 v17, v16;
	v23 =	vcvt.s32.f32 v42;
	v15 =	vcvt.s32.f32 v30;
	v25 =	vld.idx.msk [tilespmem:v37+s15+$0x0], $0xffff  }
0x84: {  	v18 =	vsub.f32 v18, v19;
	v44 =	vcvt.s32.f32 v43;
	v14 =	vmul.f32 v14, v28;
	v39 =	vld.idx.msk [tilespmem:v38+s15+$0x0], $0xffff  }
0x85: {  	v19 =	vsub.f32 v32, v22;
	v20 =	vsub.f32 v29, v21;
	v22 =	vand.u32 $0xFFFF0000, v35;
	v45 =	vld.idx.msk [tilespmem:v40+s15+$0x0], $0xffff  }
0x86: {  	v16 =	vmul.f32 v26, v5;
	v21 =	vsub.f32 v33, v15;
	v26 =	vadd.f32 v22, v14;
	v32 =	vld.idx.msk [tilespmem:v41+s15+$0x0], $0xffff  }
0x87: {  	v14 =	vmul.f32 v27, v5;
	v22 =	vsub.f32 v34, v23;
	v23 =	vsub.f32 v36, v44;
	v33 =	vld.idx.msk [tilespmem:v30+s15+$0x0], $0xffff  }
0x88: {  	v15 =	vmul.f32 v31, v5;
	v26 =	vmul.f32 v26, v28;
	v34 =	vld.idx.msk [tilespmem:v42+s15+$0x0], $0xffff  }
0x89: {  	v27 =	vshll.u32 v35, $0x10;
	v31 =	vshll.u32 v25, $0x10;
	v25 =	vand.u32 $0xFFFF0000, v25;
	v36 =	vld.idx.msk [tilespmem:v43+s15+$0x0], $0xffff  }
0x8a: {  	v28 =	vand.u32 $0xFFFF0000, v39;
	v26 =	vadd.f32 v27, v26;
	v27 =	vmul.f32 v24, v5;
	v29 =	vld.idx.msk [tilespmem:v37+s13+$0x0], $0xffff  }
0x8b: {  	v35 =	vmul.f32 v25, v17;
	v37 =	vmul.f32 v28, v18;
	v28 =	vand.u32 $0xFFFF0000, v45;
	v24 =	vld.idx.msk [tilespmem:v38+s13+$0x0], $0xffff  }
0x8c: {  	v38 =	vmul.f32 v28, v20;
	v28 =	vand.u32 $0xFFFF0000, v32;
	v25 =	vld.idx.msk [tilespmem:v40+s13+$0x0], $0xffff;
	v40 =	vadd.f32 v26, v27  }
0x8d: {  	v39 =	vshll.u32 v39, $0x10;
	v26 =	vld.idx.msk [tilespmem:v41+s13+$0x0], $0xffff;
	v41 =	vmul.f32 v28, v19;
	v28 =	vand.u32 $0xFFFF0000, v33  }
0x8e: {  	v44 =	vshll.u32 v45, $0x10;
	v27 =	vld.idx.msk [tilespmem:v30+s13+$0x0], $0xffff;
	v45 =	vmul.f32 v28, v21;
	v30 =	vand.u32 $0xFFFF0000, v34;
	[tilespmem:s28+$0x9070] =	vst v40  }
0x8f: {  	v32 =	vshll.u32 v32, $0x10;
	v28 =	vld.idx.msk [tilespmem:v42+s13+$0x0], $0xffff;
	v40 =	vmul.f32 v30, v22;
	v42 =	vand.u32 $0xFFFF0000, v36  }
.Ltmp2:
0x90: {  	v33 =	vshll.u32 v33, $0x10;
	v34 =	vshll.u32 v34, $0x10;
	v30 =	vld.idx.msk [tilespmem:v43+s13+$0x0], $0xffff;
	v42 =	vmul.f32 v42, v23;
	(pc) =	sbr.rel @p1 .LBB2_3-.Ltmp2, $4  }
0x91: {  	v39 =	vadd.f32 v39, v37;
	v46 =	vshll.u32 v36, $0x10;
	v43 =	vadd.f32 v31, v35  }
0x92: {  	v38 =	vadd.f32 v44, v38;
	v31 =	vand.u32 $0xFFFF0000, v29;
	v35 =	vadd.f32 v32, v41  }
0x93: {  	v37 =	vadd.f32 v33, v45;
	v36 =	vadd.f32 v34, v40;
	v32 =	vmul.f32 v43, v17  }
0x94: {  	s31 =	sadd.s32 $0x8, s31;
	v33 =	vmul.f32 v38, v20;
	v34 =	vmul.f32 v39, v18;
	v38 =	vadd.f32 v46, v42  }
0x95: {  	v10 =	vand.u32 $0xFFFF0000, v24;
	v11 =	vmul.f32 v35, v19  }
0x96: {  	v12 =	vmul.f32 v37, v21;
	v13 =	vand.u32 $0xFFFF0000, v25;
	v49 =	vmul.f32 v36, v22  }
0x97: {  	v51 =	vand.u32 $0xFFFF0000, v26;
	v52 =	vand.u32 $0xFFFF0000, v27;
	v39 =	vand.u32 $0xFFFF0000, v28  }
0x98: {  	v31 =	vadd.f32 v31, v32;
	v53 =	vand.u32 $0xFFFF0000, v30;
	v29 =	vshll.u32 v29, $0x10  }
0x99: {  	v56 =	vshll.u32 v24, $0x10;
	v57 =	vshll.u32 v25, $0x10;
	v59 =	vshll.u32 v26, $0x10  }
0x9a: {  	v60 =	vshll.u32 v27, $0x10;
	v61 =	vshll.u32 v28, $0x10;
	v10 =	vadd.f32 v10, v34  }
0x9b: {  	v50 =	vmul.f32 v38, v23;
	v13 =	vadd.f32 v13, v33;
	v17 =	vmul.f32 v31, v17  }
0x9c: {  	v11 =	vadd.f32 v51, v11;
	v12 =	vadd.f32 v52, v12;
	v10 =	vmul.f32 v10, v18  }
0x9d: {  	v54 =	vadd.f32 v39, v49;
	v13 =	vmul.f32 v13, v20;
	v17 =	vadd.f32 v29, v17  }
0x9e: {  	v55 =	vadd.f32 v53, v50;
	v11 =	vmul.f32 v11, v19;
	v10 =	vadd.f32 v56, v10  }
0x9f: {  	v12 =	vmul.f32 v12, v21;
	v13 =	vadd.f32 v57, v13;
	v7 =	vadd.f32 v17, v7  }
0xa0: {  	v58 =	vmul.f32 v54, v22;
	v11 =	vadd.f32 v59, v11;
	v8 =	vadd.f32 v10, v8  }
0xa1: {  	v18 =	vmul.f32 v55, v23;
	v12 =	vadd.f32 v60, v12;
	v6 =	vadd.f32 v13, v6;
	[tilespmem:s28+$0x9000] =	vst v7  }
0xa2: {  	s0 =	sand.u32 $0x6, s25;
	s2 =	smul.u32 $0x24000, s26;
	v10 =	vadd.f32 v61, v58;
	v7 =	vshll.u32 v30, $0x10;
	v62 =	vadd.f32 v11, v16;
	[tilespmem:s28+$0x9010] =	vst v8  }
0xa3: {  	v5 =	vmul.f32 v9, v5;
	p1 =	sne.s32 s24, $0x17;
	s0 =	smul.u32 $0x4800, s0;
	v7 =	vadd.f32 v7, v18;
	[tilespmem:s28+$0x9020] =	vst v6;
	v6 =	vadd.f32 v12, v14  }
.Ltmp3:
0xa4: {  	v63 =	vadd.f32 v10, v15;
	[tilespmem:s28+$0x9030] =	vst v62;
	(pc) =	sbr.rel @p1 .LBB2_6-.Ltmp3, $4  }
0xa5: {  	s0 =	sadd.s32 s0, s2;
	[tilespmem:s28+$0x9040] =	vst v6;
	v5 =	vadd.f32 v7, v5  }
0xa6: {  	s0 =	sshrl.u32 s0, $0x3;
	[tilespmem:s28+$0x9050] =	vst v63  }
0xa7: {  	s26 =	sadd.s32 s3, s0;
	[tilespmem:s28+$0x9060] =	vst v5  }
0xa8: {  	[hbm4b:s26+s4] =	stream.linear.scatter [tilespmem:s18], [sflag:$0x3], $0x4800, $0x38;
	[tilespmem:$0x16C00] =	vst v63  }
.Ltmp4:
0xa9: {  	(pc) =	sbr.rel .LBB2_7-.Ltmp4, $4  }
0xaa: {  	_ = 	snop  }
0xab: {  	_ =	swait.ge [sflag:s19], $0x4800  }
0xac: {  	[sflag:s19] =	ssyncset.done $0x0  }
0xad: {  	[sflag:s19] =	ssyncadd.s32 $0xFFFFB800  }
.LBB2_6:
0xae: {  	s0 =	sadd.s32 $0x2, s25  }
0xaf: {  	s2 =	sshrl.u32 s0, $0x3;
	s0 =	sand.u32 $0x6, s0  }
0xb0: {  	s2 =	sadd.s32 s9, s2;
	s0 =	smul.u32 $0x4800, s0  }
0xb1: {  	s2 =	smul.u32 $0x24000, s2;
	_ =	sdelay $0x1  }
0xb2: {  	s0 =	sadd.s32 s0, s2  }
0xb3: {  	s0 =	sshrl.u32 s0, $0x3  }
.Ltmp5:
0xb4: {  	s0 =	sadd.s32 s1, s0;
	(pc) =	sbr.rel @p0 .LBB2_8-.Ltmp5, $4  }
0xb5: {  	[tilespmem:s4], [sflag:$0x1] =	stream.linear.gather [hbm4b:s0+s4], $0x4800, $0x38;
	[tilespmem:$0x16C00] =	vst v63  }
0xb6: {  	_ =	swait.ge [sflag:s19], $0x4800  }
0xb7: {  	[sflag:s19] =	ssyncset.done $0x0  }
0xb8: {  	[sflag:s19] =	ssyncadd.s32 $0xFFFFB800  }
.LBB2_7:
0xb9: {  	_ =	swait.ge [sflag:s20], $0x4800  }
0xba: {  	[sflag:s20] =	ssyncset.done $0x0  }
0xbb: {  	[sflag:s20] =	ssyncadd.s32 $0xFFFFB800  }
.LBB2_8:
0xbc: {  	s29 =	simm.s32 $0x0  }
0xbd: {  	s0 =	smulhi.u32 $0xAAAAAAAB, s29;
	_ =	sdelay $0x1  }
0xbe: {  	s2 =	sshrl.u32 s0, $0x7  }
0xbf: {  	s2 =	smul.u32 $0xC00, s2  }
0xc0: {  	v5 =	vld.idx.msk [tilespmem:v0+s16+$0x0], $0xffff;
	s5 =	sshrl.u32 s0, $0x4;
	s0 =	sshll.u32 s0, $0x3  }
0xc1: {  	v6 =	vld.idx.msk [tilespmem:v3+s16+$0x0], $0xffff;
	s0 =	sand.u32 $0x380, s0;
	s5 =	smul.u32 $0xC00, s5;
	s2 =	sadd.s32 $0x0, s2  }
0xc2: {  	v8 =	vld.idx.msk [tilespmem:v1+s16+$0x0], $0xffff;
	s0 =	sadd.s32 s0, s2  }
0xc3: {  	v0 =	vld.idx.msk [tilespmem:v2+s16+$0x0], $0xffff;
	s28 =	ssub.s32 s0, s5  }
0xc4: {  	v19 =	vld [tilespmem:s28+$0x4870]  }
0xc5: {  	v1 =	vld [tilespmem:s28+$0x4800]  }
0xc6: {  	v3 =	vld [tilespmem:s28+$0x4810]  }
0xc7: {  	v9 =	vld [tilespmem:s28+$0x4820]  }
0xc8: {  	v10 =	vld [tilespmem:s28+$0x4830]  }
0xc9: {  	v11 =	vld [tilespmem:s28+$0x4840]  }
0xca: {  	v20 =	vld [tilespmem:s28+$0x4850]  }
0xcb: {  	v7 =	vld.idx.msk [tilespmem:v4+s16+$0x0], $0xffff;
	v4 =	vmul.f32 v19, v5;
	v12 =	vmul.f32 v1, v5  }
0xcc: {  	v2 =	vmul.f32 v1, v0;
	v13 =	vmul.f32 v3, v5  }
0xcd: {  	v15 =	vmul.f32 v9, v5;
	v1 =	vmul.f32 v9, v0  }
0xce: {  	v9 =	vmul.f32 v10, v5;
	v16 =	vmul.f32 v11, v5;
	v14 =	vadd.f32 v4, v6  }
0xcf: {  	v18 =	vmul.f32 v20, v5;
	v12 =	vadd.f32 v12, v6;
	v13 =	vadd.f32 v13, v6  }
0xd0: {  	v15 =	vadd.f32 v15, v6;
	v9 =	vadd.f32 v9, v6  }
0xd1: {  	v16 =	vadd.f32 v16, v6;
	v18 =	vadd.f32 v18, v6  }
0xd2: {  	v14 =	vmin.f32 v14, v8;
	v12 =	vmin.f32 v12, v8;
	v13 =	vmin.f32 v13, v8  }
0xd3: {  	v4 =	vld [tilespmem:s28+$0x4860];
	v15 =	vmin.f32 v15, v8;
	v9 =	vmin.f32 v9, v8;
	v14 =	vmax.f32 v14, v7  }
0xd4: {  	v16 =	vmin.f32 v16, v8;
	v18 =	vmin.f32 v18, v8;
	v17 =	vtrunc.f32 v14  }
0xd5: {  	v12 =	vmax.f32 v12, v7;
	v13 =	vmax.f32 v13, v7;
	v17 =	vcvt.f32.s32 v17  }
0xd6: {  	v15 =	vmax.f32 v15, v7;
	v9 =	vmax.f32 v9, v7;
	v22 =	vtrunc.f32 v12  }
0xd7: {  	v16 =	vmax.f32 v16, v7;
	v23 =	vtrunc.f32 v13;
	v25 =	vtrunc.f32 v15  }
0xd8: {  	v18 =	vmax.f32 v18, v7;
	v26 =	vtrunc.f32 v9;
	v21 =	vmul.f32 v4, v5  }
0xd9: {  	v27 =	vtrunc.f32 v16;
	v28 =	vtrunc.f32 v18  }
0xda: {  	v22 =	vcvt.f32.s32 v22;
	v23 =	vcvt.f32.s32 v23;
	v21 =	vadd.f32 v21, v6  }
0xdb: {  	v31 =	vcvt.f32.s32 v25;
	v26 =	vcvt.f32.s32 v26;
	v24 =	vld.idx.msk [tilespmem:v17+s15+$0x0], $0xffff  }
0xdc: {  	v27 =	vcvt.f32.s32 v27;
	v29 =	vcvt.s32.f32 v17;
	v21 =	vmin.f32 v21, v8  }
0xdd: {  	v28 =	vcvt.f32.s32 v28;
	v32 =	vcvt.s32.f32 v31;
	v21 =	vmax.f32 v21, v7  }
0xde: {  	v25 =	vsub.f32 v14, v29;
	v30 =	vtrunc.f32 v21;
	v29 =	vld.idx.msk [tilespmem:v17+s13+$0x0], $0xffff;
	v17 =	vcvt.s32.f32 v22  }
0xdf: {  	v35 =	vcvt.s32.f32 v28;
	v33 =	vcvt.f32.s32 v30  }
0xe0: {  	v12 =	vsub.f32 v12, v17;
	v17 =	vcvt.s32.f32 v27;
	v14 =	vand.u32 $0xFFFF0000, v24  }
0xe1: {  	v36 =	vld.idx.msk [tilespmem:v23+s15+$0x0], $0xffff;
	v37 =	vcvt.s32.f32 v33;
	v14 =	vmul.f32 v14, v25  }
0xe2: {  	v16 =	vsub.f32 v16, v17;
	v17 =	vsub.f32 v18, v35;
	v24 =	vshll.u32 v24, $0x10  }
0xe3: {  	v30 =	vcvt.s32.f32 v23;
	v18 =	vsub.f32 v21, v37;
	v21 =	vld.idx.msk [tilespmem:v28+s15+$0x0], $0xffff;
	v14 =	vadd.f32 v24, v14  }
0xe4: {  	v3 =	vmul.f32 v3, v0;
	v19 =	vmul.f32 v19, v0;
	v15 =	vsub.f32 v15, v32;
	v34 =	vld.idx.msk [tilespmem:v22+s15+$0x0], $0xffff  }
0xe5: {  	v38 =	vld.idx.msk [tilespmem:v31+s15+$0x0], $0xffff;
	v13 =	vsub.f32 v13, v30;
	v24 =	vcvt.s32.f32 v26;
	v30 =	vmul.f32 v14, v25  }
0xe6: {  	v56 =	vand.u32 $0xFFFF0000, v29;
	v29 =	vshll.u32 v29, $0x10;
	v58 =	vand.u32 $0xFFFF0000, v36  }
0xe7: {  	v14 =	vsub.f32 v9, v24;
	v9 =	vmul.f32 v10, v0;
	v24 =	vadd.f32 v56, v30;
	v30 =	vld.idx.msk [tilespmem:v26+s15+$0x0], $0xffff  }
0xe8: {  	v10 =	vmul.f32 v11, v0;
	v11 =	vmul.f32 v20, v0;
	v63 =	vshll.u32 v21, $0x10  }
0xe9: {  	v57 =	vld.idx.msk [tilespmem:v27+s15+$0x0], $0xffff;
	v20 =	vmul.f32 v24, v25;
	v24 =	vshll.u32 v34, $0x10;
	v25 =	vand.u32 $0xFFFF0000, v34  }
0xea: {  	v34 =	vmul.f32 v58, v13;
	v59 =	vmul.f32 v25, v12;
	v25 =	vand.u32 $0xFFFF0000, v38  }
0xeb: {  	v38 =	vshll.u32 v38, $0x10;
	v20 =	vadd.f32 v29, v20;
	v29 =	vld.idx.msk [tilespmem:v33+s15+$0x0], $0xffff;
	v60 =	vmul.f32 v25, v15  }
0xec: {  	v25 =	vld.idx.msk [tilespmem:v22+s13+$0x0], $0xffff;
	v22 =	vshll.u32 v36, $0x10;
	v39 =	vand.u32 $0xFFFF0000, v30;
	v24 =	vadd.f32 v24, v59  }
0xed: {  	v34 =	vadd.f32 v22, v34;
	v22 =	vld.idx.msk [tilespmem:v27+s13+$0x0], $0xffff;
	v40 =	vadd.f32 v20, v19;
	v61 =	vmul.f32 v39, v14  }
0xee: {  	v19 =	vand.u32 $0xFFFF0000, v57;
	v20 =	vand.u32 $0xFFFF0000, v21;
	v21 =	vld.idx.msk [tilespmem:v26+s13+$0x0], $0xffff;
	v37 =	vadd.f32 v38, v60  }
0xef: {  	v62 =	vmul.f32 v19, v16;
	v19 =	vld.idx.msk [tilespmem:v23+s13+$0x0], $0xffff;
	v23 =	vshll.u32 v30, $0x10;
	v41 =	vmul.f32 v20, v17  }
0xf0: {  	v20 =	vld.idx.msk [tilespmem:v31+s13+$0x0], $0xffff;
	v31 =	vshll.u32 v57, $0x10;
	v27 =	vmul.f32 v24, v12;
	v30 =	vand.u32 $0xFFFF0000, v29  }
0xf1: {  	v43 =	vshll.u32 v29, $0x10;
	v42 =	vmul.f32 v30, v18;
	v30 =	vadd.f32 v23, v61;
	v23 =	vld.idx.msk [tilespmem:v28+s13+$0x0], $0xffff  }
0xf2: {  	v24 =	vld.idx.msk [tilespmem:v33+s13+$0x0], $0xffff;
	v26 =	vand.u32 $0xFFFF0000, v25;
	v32 =	vadd.f32 v31, v62;
	v31 =	vadd.f32 v63, v41  }
0xf3: {  	s30 =	simm.s32 $0x0;
	s31 =	simm.s32 $0x8;
	[tilespmem:s28+$0xD870] =	vst v40;
	v29 =	vmul.f32 v34, v13;
	v28 =	vmul.f32 v37, v15;
	v33 =	vadd.f32 v43, v42  }
.LBB2_9:
0xf4: {  	s0 =	smulhi.u32 $0xAAAAAAAB, s31;
	s30 =	sadd.s32 $0x8, s30;
	v34 =	vand.u32 $0xFFFF0000, v19;
	v30 =	vmul.f32 v30, v14;
	v32 =	vmul.f32 v32, v16  }
0xf5: {  	v35 =	vand.u32 $0xFFFF0000, v20;
	v31 =	vmul.f32 v31, v17;
	p0 =	slt.u32 s30, $0x478;
	v33 =	vmul.f32 v33, v18  }
0xf6: {  	v36 =	vand.u32 $0xFFFF0000, v21;
	v37 =	vand.u32 $0xFFFF0000, v22;
	v38 =	vand.u32 $0xFFFF0000, v23;
	s2 =	sshrl.u32 s0, $0x7  }
0xf7: {  	v26 =	vadd.f32 v26, v27;
	v27 =	vadd.f32 v34, v29;
	v29 =	vand.u32 $0xFFFF0000, v24;
	s2 =	smul.u32 $0xC00, s2  }
0xf8: {  	v25 =	vshll.u32 v25, $0x10;
	s29 =	sadd.s32 $0x400, s29;
	v28 =	vadd.f32 v35, v28;
	s5 =	sshrl.u32 s0, $0x4;
	s0 =	sshll.u32 s0, $0x3;
	v30 =	vadd.f32 v36, v30  }
0xf9: {  	v12 =	vmul.f32 v26, v12;
	v26 =	vadd.f32 v37, v32;
	v31 =	vadd.f32 v38, v31;
	s0 =	sand.u32 $0x380, s0;
	s5 =	smul.u32 $0xC00, s5;
	s2 =	sadd.s32 s2, s29  }
0xfa: {  	v13 =	vmul.f32 v27, v13;
	v15 =	vmul.f32 v28, v15;
	v27 =	vadd.f32 v29, v33;
	s0 =	sadd.s32 s0, s2  }
0xfb: {  	v28 =	vshll.u32 v19, $0x10;
	v14 =	vmul.f32 v30, v14;
	v16 =	vmul.f32 v26, v16;
	s0 =	ssub.s32 s0, s5  }
0xfc: {  	v20 =	vshll.u32 v20, $0x10;
	v17 =	vmul.f32 v31, v17;
	v18 =	vmul.f32 v27, v18;
	v19 =	vld [tilespmem:s0+$0x4870]  }
0xfd: {  	v21 =	vshll.u32 v21, $0x10;
	v22 =	vshll.u32 v22, $0x10;
	v23 =	vshll.u32 v23, $0x10;
	v26 =	vld [tilespmem:s0+$0x4800]  }
0xfe: {  	v24 =	vshll.u32 v24, $0x10;
	v12 =	vadd.f32 v25, v12;
	v13 =	vadd.f32 v28, v13;
	v27 =	vld [tilespmem:s0+$0x4810]  }
0xff: {  	v15 =	vadd.f32 v20, v15;
	v20 =	vmul.f32 v4, v0;
	v14 =	vadd.f32 v21, v14;
	v25 =	vld [tilespmem:s0+$0x4820]  }
0x100: {  	v16 =	vadd.f32 v22, v16;
	v17 =	vadd.f32 v23, v17;
	v21 =	vld [tilespmem:s0+$0x4830]  }
0x101: {  	v12 =	vadd.f32 v12, v2;
	v18 =	vadd.f32 v24, v18;
	v22 =	vld [tilespmem:s0+$0x4840];
	v23 =	vmul.f32 v19, v5  }
0x102: {  	v13 =	vadd.f32 v13, v3;
	v24 =	vmul.f32 v26, v5;
	v2 =	vmul.f32 v26, v0;
	v26 =	vld [tilespmem:s0+$0x4850]  }
0x103: {  	v28 =	vmul.f32 v27, v5;
	v3 =	vmul.f32 v27, v0;
	v4 =	vld [tilespmem:s0+$0x4860];
	v23 =	vadd.f32 v23, v6;
	[tilespmem:s28+$0xD800] =	vst v12  }
0x104: {  	v12 =	vadd.f32 v24, v6;
	v24 =	vmul.f32 v25, v5;
	v25 =	vmul.f32 v25, v0;
	[tilespmem:s28+$0xD810] =	vst v13  }
0x105: {  	v13 =	vadd.f32 v28, v6;
	v27 =	vmul.f32 v21, v5;
	v23 =	vmin.f32 v23, v8  }
0x106: {  	v24 =	vadd.f32 v24, v6;
	v28 =	vmul.f32 v22, v5;
	v23 =	vmax.f32 v23, v7  }
0x107: {  	v27 =	vadd.f32 v27, v6;
	v29 =	vmul.f32 v26, v5;
	v30 =	vtrunc.f32 v23  }
0x108: {  	v28 =	vadd.f32 v28, v6;
	v31 =	vmul.f32 v4, v5;
	v30 =	vcvt.f32.s32 v30  }
0x109: {  	v12 =	vmin.f32 v12, v8;
	v13 =	vmin.f32 v13, v8;
	v29 =	vadd.f32 v29, v6  }
0x10a: {  	v24 =	vmin.f32 v24, v8;
	v27 =	vmin.f32 v27, v8;
	v31 =	vadd.f32 v31, v6  }
0x10b: {  	v12 =	vmax.f32 v12, v7;
	v28 =	vmin.f32 v28, v8;
	v29 =	vmin.f32 v29, v8  }
0x10c: {  	v13 =	vmax.f32 v13, v7;
	v24 =	vmax.f32 v24, v7;
	v31 =	vmin.f32 v31, v8  }
0x10d: {  	v27 =	vmax.f32 v27, v7;
	v28 =	vmax.f32 v28, v7;
	v29 =	vmax.f32 v29, v7  }
0x10e: {  	v32 =	vtrunc.f32 v12;
	v33 =	vtrunc.f32 v13;
	v31 =	vmax.f32 v31, v7;
	v34 =	vld.idx.msk [tilespmem:v30+s15+$0x0], $0xffff  }
0x10f: {  	v15 =	vadd.f32 v15, v1;
	v1 =	vmovc v25;
	v35 =	vtrunc.f32 v24;
	v36 =	vtrunc.f32 v27  }
0x110: {  	v9 =	vadd.f32 v14, v9;
	v25 =	vtrunc.f32 v28;
	v37 =	vtrunc.f32 v29  }
0x111: {  	v10 =	vadd.f32 v16, v10;
	v38 =	vcvt.s32.f32 v30;
	v14 =	vtrunc.f32 v31;
	[tilespmem:s28+$0xD820] =	vst v15  }
0x112: {  	v32 =	vcvt.f32.s32 v32;
	v33 =	vcvt.f32.s32 v33;
	[tilespmem:s28+$0xD830] =	vst v9;
	v9 =	vadd.f32 v17, v11  }
0x113: {  	v35 =	vcvt.f32.s32 v35;
	v36 =	vcvt.f32.s32 v36;
	v23 =	vsub.f32 v23, v38;
	[tilespmem:s28+$0xD840] =	vst v10  }
0x114: {  	v38 =	vcvt.f32.s32 v25;
	v37 =	vcvt.f32.s32 v37;
	v10 =	vand.u32 $0xFFFF0000, v34;
	v25 =	vld.idx.msk [tilespmem:v30+s13+$0x0], $0xffff;
	[tilespmem:s28+$0xD850] =	vst v9  }
0x115: {  	v30 =	vcvt.f32.s32 v14;
	v9 =	vmul.f32 v10, v23;
	v10 =	vadd.f32 v18, v20  }
0x116: {  	v11 =	vcvt.s32.f32 v32;
	v15 =	vshll.u32 v34, $0x10;
	v14 =	vcvt.s32.f32 v33  }
0x117: {  	v16 =	vcvt.s32.f32 v35;
	v17 =	vcvt.s32.f32 v36;
	v9 =	vadd.f32 v15, v9;
	[tilespmem:s28+$0xD860] =	vst v10;
	s28 =	smov.u32 s0  }
0x118: {  	v12 =	vsub.f32 v12, v11;
	v11 =	vcvt.s32.f32 v37;
	v10 =	vcvt.s32.f32 v38;
	v20 =	vld.idx.msk [tilespmem:v32+s15+$0x0], $0xffff  }
0x119: {  	v13 =	vsub.f32 v13, v14;
	v18 =	vcvt.s32.f32 v30;
	v39 =	vmul.f32 v9, v23;
	v34 =	vld.idx.msk [tilespmem:v33+s15+$0x0], $0xffff  }
0x11a: {  	v15 =	vsub.f32 v24, v16;
	v14 =	vsub.f32 v27, v17;
	v17 =	vand.u32 $0xFFFF0000, v25;
	v24 =	vld.idx.msk [tilespmem:v35+s15+$0x0], $0xffff  }
0x11b: {  	v9 =	vmul.f32 v21, v0;
	v16 =	vsub.f32 v28, v10;
	v21 =	vadd.f32 v17, v39;
	v27 =	vld.idx.msk [tilespmem:v36+s15+$0x0], $0xffff  }
0x11c: {  	v18 =	vsub.f32 v31, v18;
	v10 =	vmul.f32 v22, v0;
	v17 =	vsub.f32 v29, v11;
	v28 =	vld.idx.msk [tilespmem:v38+s15+$0x0], $0xffff  }
0x11d: {  	v11 =	vmul.f32 v26, v0;
	v21 =	vmul.f32 v21, v23;
	v29 =	vld.idx.msk [tilespmem:v37+s15+$0x0], $0xffff  }
0x11e: {  	v22 =	vshll.u32 v25, $0x10;
	v26 =	vshll.u32 v20, $0x10;
	v20 =	vand.u32 $0xFFFF0000, v20;
	v31 =	vld.idx.msk [tilespmem:v30+s15+$0x0], $0xffff  }
0x11f: {  	v23 =	vand.u32 $0xFFFF0000, v34;
	v21 =	vadd.f32 v22, v21;
	v22 =	vmul.f32 v19, v0;
	v25 =	vld.idx.msk [tilespmem:v32+s13+$0x0], $0xffff  }
0x120: {  	v32 =	vmul.f32 v20, v12;
	v19 =	vld.idx.msk [tilespmem:v33+s13+$0x0], $0xffff;
	v33 =	vmul.f32 v23, v13;
	v23 =	vand.u32 $0xFFFF0000, v24  }
0x121: {  	v39 =	vadd.f32 v21, v22;
	v20 =	vld.idx.msk [tilespmem:v35+s13+$0x0], $0xffff;
	v35 =	vmul.f32 v23, v15;
	v23 =	vand.u32 $0xFFFF0000, v27  }
0x122: {  	v34 =	vshll.u32 v34, $0x10;
	v21 =	vld.idx.msk [tilespmem:v36+s13+$0x0], $0xffff;
	v36 =	vmul.f32 v23, v14;
	v23 =	vand.u32 $0xFFFF0000, v28  }
0x123: {  	v40 =	vshll.u32 v24, $0x10;
	v24 =	vand.u32 $0xFFFF0000, v29;
	v22 =	vld.idx.msk [tilespmem:v38+s13+$0x0], $0xffff;
	v38 =	vmul.f32 v23, v16;
	[tilespmem:s28+$0xD870] =	vst v39  }
0x124: {  	v27 =	vshll.u32 v27, $0x10;
	v39 =	vand.u32 $0xFFFF0000, v31;
	v23 =	vld.idx.msk [tilespmem:v37+s13+$0x0], $0xffff;
	v37 =	vmul.f32 v24, v17  }
.Ltmp6:
0x125: {  	v28 =	vshll.u32 v28, $0x10;
	v29 =	vshll.u32 v29, $0x10;
	v39 =	vmul.f32 v39, v18;
	v24 =	vld.idx.msk [tilespmem:v30+s13+$0x0], $0xffff;
	(pc) =	sbr.rel @p0 .LBB2_9-.Ltmp6, $4  }
0x126: {  	v32 =	vadd.f32 v26, v32;
	v33 =	vadd.f32 v34, v33;
	v34 =	vshll.u32 v31, $0x10  }
0x127: {  	v35 =	vadd.f32 v40, v35;
	v26 =	vand.u32 $0xFFFF0000, v25;
	v30 =	vadd.f32 v27, v36  }
0x128: {  	v27 =	vmul.f32 v32, v12;
	v32 =	vadd.f32 v28, v38;
	v31 =	vadd.f32 v29, v37  }
0x129: {  	s31 =	sadd.s32 $0x8, s31;
	v28 =	vmul.f32 v35, v15;
	v29 =	vmul.f32 v33, v13;
	v33 =	vadd.f32 v34, v39  }
0x12a: {  	v5 =	vand.u32 $0xFFFF0000, v19;
	v6 =	vmul.f32 v30, v14  }
0x12b: {  	v7 =	vmul.f32 v32, v16;
	v8 =	vand.u32 $0xFFFF0000, v20;
	v47 =	vmul.f32 v31, v17  }
0x12c: {  	v49 =	vand.u32 $0xFFFF0000, v21;
	v50 =	vand.u32 $0xFFFF0000, v22;
	v34 =	vand.u32 $0xFFFF0000, v23  }
0x12d: {  	v26 =	vadd.f32 v26, v27;
	v51 =	vand.u32 $0xFFFF0000, v24;
	v25 =	vshll.u32 v25, $0x10  }
0x12e: {  	v54 =	vshll.u32 v19, $0x10;
	v55 =	vshll.u32 v20, $0x10;
	v57 =	vshll.u32 v21, $0x10  }
0x12f: {  	v58 =	vshll.u32 v22, $0x10;
	v59 =	vshll.u32 v23, $0x10;
	v5 =	vadd.f32 v5, v29  }
0x130: {  	v48 =	vmul.f32 v33, v18;
	v8 =	vadd.f32 v8, v28;
	v12 =	vmul.f32 v26, v12  }
0x131: {  	v6 =	vadd.f32 v49, v6;
	v7 =	vadd.f32 v50, v7;
	v5 =	vmul.f32 v5, v13  }
0x132: {  	v52 =	vadd.f32 v34, v47;
	v8 =	vmul.f32 v8, v15;
	v12 =	vadd.f32 v25, v12  }
0x133: {  	v53 =	vadd.f32 v51, v48;
	v6 =	vmul.f32 v6, v14;
	v5 =	vadd.f32 v54, v5  }
0x134: {  	v7 =	vmul.f32 v7, v16;
	v8 =	vadd.f32 v55, v8;
	v2 =	vadd.f32 v12, v2  }
0x135: {  	v56 =	vmul.f32 v52, v17;
	v6 =	vadd.f32 v57, v6;
	v3 =	vadd.f32 v5, v3  }
0x136: {  	v13 =	vmul.f32 v53, v18;
	v7 =	vadd.f32 v58, v7;
	v1 =	vadd.f32 v8, v1;
	[tilespmem:s28+$0xD800] =	vst v2  }
0x137: {  	v60 =	vshll.u32 v24, $0x10;
	v5 =	vadd.f32 v59, v56;
	v61 =	vadd.f32 v6, v9;
	[tilespmem:s28+$0xD810] =	vst v3  }
0x138: {  	v0 =	vmul.f32 v4, v0;
	p0 =	seq.s32 s24, $0x17;
	v2 =	vadd.f32 v60, v13;
	v62 =	vadd.f32 v7, v10;
	[tilespmem:s28+$0xD820] =	vst v1  }
.Ltmp7:
0x139: {  	v63 =	vadd.f32 v5, v11;
	[tilespmem:s28+$0xD830] =	vst v61;
	(pc) =	sbr.rel @p0 .LBB2_12-.Ltmp7, $4  }
0x13a: {  	[tilespmem:s28+$0xD840] =	vst v62;
	v0 =	vadd.f32 v2, v0  }
0x13b: {  	[tilespmem:s28+$0xD850] =	vst v63  }
0x13c: {  	s0 =	sadd.s32 $0x900, s26;
	[tilespmem:s28+$0xD860] =	vst v0  }
0x13d: {  	[hbm4b:s0+s4] =	stream.linear.scatter [tilespmem:s21], [sflag:$0x4], $0x4800, $0x38;
	[tilespmem:$0x16C00] =	vst v63  }
0x13e: {  	s0 =	sadd.s32 $0x3, s25  }
0x13f: {  	s2 =	sshrl.u32 s0, $0x3;
	s0 =	sand.u32 $0x7, s0  }
0x140: {  	s2 =	sadd.s32 s9, s2;
	s0 =	smul.u32 $0x4800, s0  }
0x141: {  	s2 =	smul.u32 $0x24000, s2  }
.Ltmp8:
0x142: {  	_ = 	snop;
	(pc) =	sbr.rel .LBB2_2-.Ltmp8, $4  }
0x143: {  	s0 =	sadd.s32 s0, s2  }
0x144: {  	s0 =	sshrl.u32 s0, $0x3  }
0x145: {  	s24 =	sadd.s32 $0x1, s24;
	s0 =	sadd.s32 s1, s0  }
0x146: {  	[tilespmem:s12], [sflag:$0x2] =	stream.linear.gather [hbm4b:s0+s4], $0x4800, $0x38;
	[tilespmem:$0x16C00] =	vst v63  }
.LBB2_13:
0x147: {  	_ =	sfence.sel $0x180000  }
0x148: {  	[bflag:$0x0] =	sbarrier.arrive $0xFFFF  }
0x149: {  	_ =	strace $0x90000047  }
0x14a: {  	s0 =	stileid.u32;
	[bflag:$0x2] =	sbarrier.arrive $0xFFFF  }
0x14b: {  	p0 =	sne.s32 s0, $0x0;
	s0 =	rddreg [dreg:$0x3]  }
0x14c: {  	s0 =	sadd.s32 @!p0 $0x100000, s0  }
0x14d: {  	[sflag:s0] =	ssyncadd.tile.s32 @!p0 $0x1;
	_ =	shalt  }
.Lfunc_end2:
_tile_overlayer_lowered:
.L_overlay_start_2:
0x14e: {  	(tag) =	ssettag $0x2  }
0x14f: {  	s0 =	rddreg [dreg:$0x0];
	s2 =	stileid.u32  }
0x150: {  	s1 =	rddreg [dreg:$0x1];
	p0 =	sne.s32 s2, $0x0  }
0x151: {  	s3 =	rddreg [dreg:$0x2];
	[bflag:$0x3] =	sbarrier.arrive $0xFFFF;
	s2 =	simm.s32 @!p0 $0x1C05  }
0x152: {  	[timem:s3], [sflag:s2] =	dma.local @!p0 [hbm:s0], s1  }
0x153: {  	s0 =	simm.s32 @!p0 $0x5  }
0x154: {  	_ =	swait.ge @!p0 [sflag:s0], s1  }
0x155: {  	s1 =	ssub.s32 @!p0 $0x0, s1;
	[sflag:s0] =	ssyncset.done @!p0 $0x0  }
0x156: {  	[sflag:s0] =	ssyncadd.s32 @!p0 s1  }
0x157: {  	[bflag:$0x3] =	sbarrier.arrive $0xFFFF  }
0x158: {  	_ =	shalt  }

</sc_bundles>
